<compile_context>
chip_gen: v7x
topology: tpu7x:2x2x1
jax: 0.10.2.dev20260603
libtpu: 0.0.44.dev20260713+nightly
codegen_flags: <defaults>
</compile_context>

<pallas_src>
import functools

import jax
import jax.numpy as jnp
from jax import lax
from jax.experimental import pallas as pl
from jax.experimental.pallas import tpu as pltpu
from jax.experimental.pallas import tpu_sc as plsc

N_NODES = 10000
N_EDGES = 320000
NC = 2
NS = 16
NW = NC * NS
EPW = N_EDGES // NW
KCH = 80
STRIPE = 624
ZR = 208

BE = 2000
BN = 2000


def _dot(a, b):
    return lax.dot_general(a, b, (((1,), (0,)), ((), ())),
                           preferred_element_type=jnp.float32)


def _relu(v):
    return jnp.maximum(v, 0.0)



def _node_embed_body(x_ref, w0, b0, w1, b1, w2, b2, wall, ball,
                     ab_ref, c_ref):
    h = _relu(_dot(x_ref[...], w0[...]) + b0[...])
    h = _relu(_dot(h, w1[...]) + b1[...])
    node = _dot(h, w2[...]) + b2[...]
    p = _dot(node, wall[...]) + ball[...]
    ab_ref[...] = p[:, :128]
    c_ref[...] = p[:, 128:]


def _step1_body(gabd, gabs, gc, ea_ref,
                ee0w, ee0b, ee1w, ee1b, ee2w, ee2b, ee3w, ee3b,
                me0e, me1w, me1b, mn0e, e1_ref, m_ref):
    g = _relu(_dot(ea_ref[...], ee0w[...]) + ee0b[...])
    g = _relu(_dot(g, ee1w[...]) + ee1b[...])
    g = _relu(_dot(g, ee2w[...]) + ee2b[...])
    e0 = _dot(g, ee3w[...]) + ee3b[...]
    h = _relu(gabd[:, :64] + gabs[:, 64:] + _dot(e0, me0e[...]))
    e1 = _relu(_dot(h, me1w[...]) + me1b[...])
    e1_ref[...] = e1
    m_ref[...] = _relu(gc[...] + _dot(e1, mn0e[...]))


def _proj_body(parts_ref, w_ref, b_ref, ab_ref):
    node = parts_ref[0] + parts_ref[1]
    ab_ref[...] = _dot(node, w_ref[...]) + b_ref[...]


def _step2_head_body(gd, gs, e1, me0e, me1w, me1b,
                     c0w, c0b, c1w, c1b, c2w, c2b, out_ref):
    h = _relu(gd[:, :64] + gs[:, 64:] + _dot(e1[...], me0e[...]))
    e2 = _relu(_dot(h, me1w[...]) + me1b[...])
    c = _relu(_dot(e2, c0w[...]) + c0b[...])
    c = _relu(_dot(c, c1w[...]) + c1b[...])
    out_ref[...] = _dot(c, c2w[...]) + c2b[...]


def _full(shape):
    return pl.BlockSpec(shape, lambda i: (0,) * len(shape))


def _eblk(d):
    return pl.BlockSpec((BE, d), lambda i: (i, 0))


def _nblk(d):
    return pl.BlockSpec((BN, d), lambda i: (i, 0))



def _sc_mesh():
    return plsc.VectorSubcoreMesh(core_axis_name="c", subcore_axis_name="s")


def _make_gather(n_tables, pairs):
    n_out = len(pairs)

    @functools.partial(
        pl.kernel,
        out_type=tuple(jax.ShapeDtypeStruct((N_EDGES, 128), jnp.float32)
                       for _ in pairs),
        mesh=_sc_mesh(),
        scratch_types=(
            [pltpu.VMEM((KCH,), jnp.int32) for _ in range(2)]
            + [pltpu.VMEM((KCH, 128), jnp.float32) for _ in pairs]
            + [pltpu.SemaphoreType.DMA for _ in pairs]
        ),
    )
    def gather_k(*refs):
        tables = refs[:n_tables]
        dstr, srcr = refs[n_tables:n_tables + 2]
        outs = refs[n_tables + 2:n_tables + 2 + n_out]
        idxd = refs[n_tables + 2 + n_out]
        idxs = refs[n_tables + 3 + n_out]
        bufs = refs[n_tables + 4 + n_out:n_tables + 4 + 2 * n_out]
        sems = refs[n_tables + 4 + 2 * n_out:]
        idx_refs = (idxd, idxs)
        wid = lax.axis_index("s") * NC + lax.axis_index("c")

        def body(i, carry):
            base = wid * EPW + i * KCH
            pltpu.sync_copy(dstr.at[pl.ds(base, KCH)], idxd)
            pltpu.sync_copy(srcr.at[pl.ds(base, KCH)], idxs)
            cps = [pltpu.async_copy(tables[t].at[idx_refs[j]], bufs[k], sems[k])
                   for k, (t, j) in enumerate(pairs)]
            for cp in cps:
                cp.wait()
            for k in range(n_out):
                pltpu.sync_copy(bufs[k], outs[k].at[pl.ds(base, KCH)])
            return carry

        lax.fori_loop(0, EPW // KCH, body, 0)

    return gather_k


def _make_scatter():

    @functools.partial(
        pl.kernel,
        out_type=jax.ShapeDtypeStruct((NC, N_NODES, 128), jnp.float32),
        mesh=_sc_mesh(),
        scratch_types=[
            pltpu.VMEM((KCH,), jnp.int32),
            pltpu.VMEM((KCH, 128), jnp.float32),
            pltpu.VMEM((ZR, 128), jnp.float32),
            pltpu.VMEM_SHARED((N_NODES, 128), jnp.float32),
            pltpu.SemaphoreType.DMA,
        ],
    )
    def scatter_k(m, dstr, out, idx, mv, zv, acc, sem):
        cid = lax.axis_index("c")
        sid = lax.axis_index("s")
        wid = sid * NC + cid
        zero16 = jnp.zeros((16,), jnp.float32)

        def zrow(r, carry):
            for cc in range(8):
                zv[r, pl.ds(cc * 16, 16)] = zero16
            return carry

        lax.fori_loop(0, ZR, zrow, 0)
        for j in range(STRIPE // ZR):
            pltpu.sync_copy(zv, acc.at[pl.ds(sid * STRIPE + j * ZR, ZR)])

        @pl.when(sid == NS - 1)
        def _zero_tail():
            pltpu.sync_copy(zv.at[pl.ds(0, 16)],
                            acc.at[pl.ds(NS * STRIPE, 16)])

        plsc.subcore_barrier()

        def body(i, carry):
            base = wid * EPW + i * KCH
            pltpu.sync_copy(dstr.at[pl.ds(base, KCH)], idx)
            pltpu.sync_copy(m.at[pl.ds(base, KCH)], mv)
            pltpu.sync_copy(mv, acc.at[idx], add=True)
            return carry

        lax.fori_loop(0, EPW // KCH, body, 0)
        plsc.subcore_barrier()
        pltpu.sync_copy(acc.at[pl.ds(sid * STRIPE, STRIPE)],
                        out.at[cid, pl.ds(sid * STRIPE, STRIPE)])

        @pl.when(sid == NS - 1)
        def _copy_tail():
            pltpu.sync_copy(acc.at[pl.ds(NS * STRIPE, 16)],
                            out.at[cid, pl.ds(NS * STRIPE, 16)])

    return scatter_k



def kernel(x, edge_attr, params, edge_index):
    p = params
    f32 = jnp.float32
    src = edge_index[0]
    dst = edge_index[1]

    def row(v):
        return v.reshape(1, -1).astype(f32)

    wab = jnp.concatenate([p['me0_w'][:128], p['me0_w'][128:256]],
                          axis=1)
    wall = jnp.concatenate([wab, p['mn0_w'][:128]], axis=1)
    ball = jnp.concatenate([p['me0_b'], jnp.zeros((64,), f32),
                            p['mn0_b']]).reshape(1, 256)
    bab = jnp.concatenate([p['me0_b'], jnp.zeros((64,), f32)]).reshape(1, 128)
    me0e = p['me0_w'][256:272]
    mn0e = p['mn0_w'][128:144]

    ge = N_EDGES // BE
    gn = N_NODES // BN

    tab0, tc0 = pl.pallas_call(
        _node_embed_body,
        grid=(gn,),
        in_specs=[_nblk(128),
                  _full((128, 128)), _full((1, 128)),
                  _full((128, 64)), _full((1, 64)),
                  _full((64, 128)), _full((1, 128)),
                  _full((128, 256)), _full((1, 256))],
        out_specs=[_nblk(128), _nblk(128)],
        out_shape=[jax.ShapeDtypeStruct((N_NODES, 128), f32),
                   jax.ShapeDtypeStruct((N_NODES, 128), f32)],
    )(x, p['ne0_w'], row(p['ne0_b']), p['ne1_w'], row(p['ne1_b']),
      p['ne2_w'], row(p['ne2_b']), wall, ball)

    gabd, gabs, gc = _make_gather(2, [(0, 0), (0, 1), (1, 0)])(
        tab0, tc0, dst, src)

    edge1, m0 = pl.pallas_call(
        _step1_body,
        grid=(ge,),
        in_specs=[_eblk(128), _eblk(128), _eblk(128), _eblk(16),
                  _full((16, 32)), _full((1, 32)),
                  _full((32, 64)), _full((1, 64)),
                  _full((64, 64)), _full((1, 64)),
                  _full((64, 16)), _full((1, 16)),
                  _full((16, 64)), _full((64, 16)), _full((1, 16)),
                  _full((16, 128))],
        out_specs=[_eblk(16), _eblk(128)],
        out_shape=[jax.ShapeDtypeStruct((N_EDGES, 16), f32),
                   jax.ShapeDtypeStruct((N_EDGES, 128), f32)],
    )(gabd, gabs, gc, edge_attr,
      p['ee0_w'], row(p['ee0_b']), p['ee1_w'], row(p['ee1_b']),
      p['ee2_w'], row(p['ee2_b']), p['ee3_w'], row(p['ee3_b']),
      me0e, p['me1_w'], row(p['me1_b']), mn0e)

    parts = _make_scatter()(m0, dst)

    tab1 = pl.pallas_call(
        _proj_body,
        grid=(gn,),
        in_specs=[pl.BlockSpec((NC, BN, 128), lambda i: (0, i, 0)),
                  _full((128, 128)), _full((1, 128))],
        out_specs=_nblk(128),
        out_shape=jax.ShapeDtypeStruct((N_NODES, 128), f32),
    )(parts, wab, bab)

    gd1, gs1 = _make_gather(1, [(0, 0), (0, 1)])(tab1, dst, src)

    out = pl.pallas_call(
        _step2_head_body,
        grid=(ge,),
        in_specs=[_eblk(128), _eblk(128), _eblk(16),
                  _full((16, 64)), _full((64, 16)), _full((1, 16)),
                  _full((16, 64)), _full((1, 64)),
                  _full((64, 32)), _full((1, 32)),
                  _full((32, 1)), _full((1, 1))],
        out_specs=_eblk(1),
        out_shape=jax.ShapeDtypeStruct((N_EDGES, 1), f32),
    )(gd1, gs1, edge1, me0e, p['me1_w'], row(p['me1_b']),
      p['c0_w'], row(p['c0_b']), p['c1_w'], row(p['c1_b']),
      p['c2_w'], row(p['c2_b']))

    return out

# --- scband reference (transcript-rebuilt; emitter-appended) ---
"""Pipeline reference for scband-vanilla-mpn-46256797778077 (READ-ONLY COPY).

The authoritative reference and input builder live on the scoring server;
editing this copy changes nothing except your own understanding.
"""

import jax, jax.numpy as jnp
import numpy as np

N_NODES = 10000
N_EDGES = 320000
D_NODE_IN = 128
D_EDGE_IN = 16
STEPS = 2

def setup_inputs(seed: int = 0):
    key = jax.random.key(seed)
    ks = jax.random.split(key, 32)
    x = jax.random.normal(ks[0], (N_NODES, D_NODE_IN), dtype=jnp.float32)
    edge_attr = jax.random.normal(ks[1], (N_EDGES, D_EDGE_IN), dtype=jnp.float32)
    edge_index = jax.random.randint(ks[2], (2, N_EDGES), 0, N_NODES, dtype=jnp.int32)

    def w(k, fi, fo):
        return jax.random.normal(k, (fi, fo), dtype=jnp.float32) * (1.0 / np.sqrt(fi))

    def b(k, fo):
        return jax.random.normal(k, (fo,), dtype=jnp.float32) * 0.01

    params = {
        'ne0_w': w(ks[3], 128, 128), 'ne0_b': b(ks[4], 128),
        'ne1_w': w(ks[5], 128, 64), 'ne1_b': b(ks[6], 64),
        'ne2_w': w(ks[7], 64, 128), 'ne2_b': b(ks[8], 128),
        'ee0_w': w(ks[9], 16, 32), 'ee0_b': b(ks[10], 32),
        'ee1_w': w(ks[11], 32, 64), 'ee1_b': b(ks[12], 64),
        'ee2_w': w(ks[13], 64, 64), 'ee2_b': b(ks[14], 64),
        'ee3_w': w(ks[15], 64, 16), 'ee3_b': b(ks[16], 16),
        'me0_w': w(ks[17], 272, 64), 'me0_b': b(ks[18], 64),
        'me1_w': w(ks[19], 64, 16), 'me1_b': b(ks[20], 16),
        'mn0_w': w(ks[21], 144, 128), 'mn0_b': b(ks[22], 128),
        'c0_w': w(ks[23], 16, 64), 'c0_b': b(ks[24], 64),
        'c1_w': w(ks[25], 64, 32), 'c1_b': b(ks[26], 32),
        'c2_w': w(ks[27], 32, 1), 'c2_b': b(ks[28], 1),
    }
    return {'x': x, 'edge_attr': edge_attr, 'params': params, 'edge_index': edge_index}

def _forward(x, edge_attr, params, edge_index):
    p = params
    # node_embedding: Linear(128,128) ReLU Linear(128,64) ReLU Linear(64,128)
    h = jax.nn.relu(x @ p['ne0_w'] + p['ne0_b'])
    h = jax.nn.relu(h @ p['ne1_w'] + p['ne1_b'])
    node = h @ p['ne2_w'] + p['ne2_b']
    # edge_embedding: Linear(16,32) ReLU Linear(32,64) ReLU Linear(64,64) ReLU Linear(64,16)
    g = jax.nn.relu(edge_attr @ p['ee0_w'] + p['ee0_b'])
    g = jax.nn.relu(g @ p['ee1_w'] + p['ee1_b'])
    g = jax.nn.relu(g @ p['ee2_w'] + p['ee2_b'])
    edge = g @ p['ee3_w'] + p['ee3_b']
    src = edge_index[0]  # j (source)
    dst = edge_index[1]  # i (target)
    for _ in range(STEPS):
        x_i = node[dst]
        x_j = node[src]
        # mlp_edge on [x_i, x_j, e_ij]
        e = jnp.concatenate([x_i, x_j, edge], axis=1)
        e = jax.nn.relu(e @ p['me0_w'] + p['me0_b'])
        edge = jax.nn.relu(e @ p['me1_w'] + p['me1_b'])
        # message: mlp_node([x_i, edge_attr]) then aggr='add' at dst
        m = jnp.concatenate([x_i, edge], axis=1)
        m = jax.nn.relu(m @ p['mn0_w'] + p['mn0_b'])
        node = jax.ops.segment_sum(m, dst, num_segments=N_NODES)
    # classification head on final edge features
    c = jax.nn.relu(edge @ p['c0_w'] + p['c0_b'])
    c = jax.nn.relu(c @ p['c1_w'] + p['c1_b'])
    return c @ p['c2_w'] + p['c2_b']

def reference(x, edge_attr, params, edge_index):
    return _forward(x, edge_attr, params, edge_index)

if __name__ == "__main__":
    import jax
    _d = setup_inputs()
    print(jax.jit(kernel)(*tuple(_d.values())))

</pallas_src>

<mosaic_0001>
#map = affine_map<(d0, d1) -> (0, 0)>
#map1 = affine_map<(d0, d1) -> (0)>
module attributes {stable_mosaic.version = 14 : i64} {
  func.func @gather_k(%arg0: i32, %arg1: i32, %arg2: memref<10000x128xf32, #tpu.memory_space<hbm>>, %arg3: memref<320000xi32, #tpu.memory_space<hbm>>, %arg4: memref<320000xi32, #tpu.memory_space<hbm>>, %arg5: memref<320000x128xf32, #tpu.memory_space<hbm>>, %arg6: memref<320000x128xf32, #tpu.memory_space<hbm>>, %arg7: memref<80xi32, #tpu.memory_space<vmem>>, %arg8: memref<80xi32, #tpu.memory_space<vmem>>, %arg9: memref<80x128xf32, #tpu.memory_space<vmem>>, %arg10: memref<80x128xf32, #tpu.memory_space<vmem>>, %arg11: memref<!tpu.dma_semaphore, #tpu.memory_space<semaphore_mem>>, %arg12: memref<!tpu.dma_semaphore, #tpu.memory_space<semaphore_mem>>) attributes {dimension_semantics = [#tpu.dimension_semantics<core_parallel>, #tpu.dimension_semantics<subcore_parallel>], iteration_bounds = array<i64: 2, 16>, scalar_prefetch = 0 : i64, scratch_operands = 6 : i64, tpu.core_type = #tpu.core_type<sc_vector_subcore>, window_params = [{transform_indices = #map}, {transform_indices = #map1}, {transform_indices = #map1}, {transform_indices = #map}, {transform_indices = #map}]} {
    %mul3A = arith.constant 2 : i32
    %mul3A_0 = arith.muli %arg1, %mul3A : i32
    %add3A = arith.addi %mul3A_0, %arg0 : i32
    %scan3A = arith.constant 0 : i32
    %scan3A_1 = arith.constant 0 : i32
    %scan3A_2 = arith.constant 125 : i32
    %scan3A_3 = arith.addi %scan3A_1, %scan3A_2 : i32
    %scan3A_4 = arith.constant 1 : i32
    scf.for %scan3A_6 = %scan3A_1 to %scan3A_3 step %scan3A_4  : i32 {
      %mul3A_7 = arith.constant 10000 : i32
      %mul3A_8 = arith.muli %add3A, %mul3A_7 : i32
      %mul3A_9 = arith.constant 80 : i32
      %mul3A_10 = arith.muli %scan3A_6, %mul3A_9 : i32
      %add3A_11 = arith.addi %mul3A_8, %mul3A_10 : i32
      "tpu.region"() ({
        %run_scoped3A = tpu.sem_alloc : memref<!tpu.dma_semaphore, #tpu.memory_space<semaphore_mem>>
        %dma_start3A_22 = tpu.memref_slice %arg3[%add3A_11] : memref<320000xi32, #tpu.memory_space<hbm>> -> memref<80xi32, #tpu.memory_space<hbm>>
        %dma_start3A_23 = tpu.memref_slice %arg3[%add3A_11] : memref<320000xi32, #tpu.memory_space<hbm>> -> memref<80xi32, #tpu.memory_space<hbm>>
        tpu.enqueue_dma source(%dma_start3A_23 : memref<80xi32, #tpu.memory_space<hbm>>) target(%arg7 : memref<80xi32, #tpu.memory_space<vmem>>) target_semaphore(%run_scoped3A : memref<!tpu.dma_semaphore, #tpu.memory_space<semaphore_mem>>)
        %dma_wait3A_24 = tpu.memref_slice %arg3[%add3A_11] : memref<320000xi32, #tpu.memory_space<hbm>> -> memref<80xi32, #tpu.memory_space<hbm>>
        %dma_wait3A_25 = tpu.memref_slice %arg3[%add3A_11] : memref<320000xi32, #tpu.memory_space<hbm>> -> memref<80xi32, #tpu.memory_space<hbm>>
        tpu.wait_dma2 semaphore(%run_scoped3A : memref<!tpu.dma_semaphore, #tpu.memory_space<semaphore_mem>>) src(%dma_wait3A_25 : memref<80xi32, #tpu.memory_space<hbm>>) dst(%arg7 : memref<80xi32, #tpu.memory_space<vmem>>)
        tpu.yield
      }) : () -> ()
      "tpu.region"() ({
        %run_scoped3A = tpu.sem_alloc : memref<!tpu.dma_semaphore, #tpu.memory_space<semaphore_mem>>
        %dma_start3A_22 = tpu.memref_slice %arg4[%add3A_11] : memref<320000xi32, #tpu.memory_space<hbm>> -> memref<80xi32, #tpu.memory_space<hbm>>
        %dma_start3A_23 = tpu.memref_slice %arg4[%add3A_11] : memref<320000xi32, #tpu.memory_space<hbm>> -> memref<80xi32, #tpu.memory_space<hbm>>
        tpu.enqueue_dma source(%dma_start3A_23 : memref<80xi32, #tpu.memory_space<hbm>>) target(%arg8 : memref<80xi32, #tpu.memory_space<vmem>>) target_semaphore(%run_scoped3A : memref<!tpu.dma_semaphore, #tpu.memory_space<semaphore_mem>>)
        %dma_wait3A_24 = tpu.memref_slice %arg4[%add3A_11] : memref<320000xi32, #tpu.memory_space<hbm>> -> memref<80xi32, #tpu.memory_space<hbm>>
        %dma_wait3A_25 = tpu.memref_slice %arg4[%add3A_11] : memref<320000xi32, #tpu.memory_space<hbm>> -> memref<80xi32, #tpu.memory_space<hbm>>
        tpu.wait_dma2 semaphore(%run_scoped3A : memref<!tpu.dma_semaphore, #tpu.memory_space<semaphore_mem>>) src(%dma_wait3A_25 : memref<80xi32, #tpu.memory_space<hbm>>) dst(%arg8 : memref<80xi32, #tpu.memory_space<vmem>>)
        tpu.yield
      }) : () -> ()
      %dma_start3A = arith.constant 0 : i32
      %dma_start3A_12 = arith.constant 0 : i32
      %dma_start3A_13 = tpu.memref_slice %arg2[%dma_start3A, %dma_start3A_12] : memref<10000x128xf32, #tpu.memory_space<hbm>> -> memref<10000x128xf32, #tpu.memory_space<hbm>>
      tpu.enqueue_indirect_dma source(%dma_start3A_13 : memref<10000x128xf32, #tpu.memory_space<hbm>>) target(%arg9 : memref<80x128xf32, #tpu.memory_space<vmem>>) offsets(%arg7 : memref<80xi32, #tpu.memory_space<vmem>>) semaphore(%arg11 : memref<!tpu.dma_semaphore, #tpu.memory_space<semaphore_mem>>)
      %dma_start3A_14 = arith.constant 0 : i32
      %dma_start3A_15 = arith.constant 0 : i32
      %dma_start3A_16 = tpu.memref_slice %arg2[%dma_start3A_14, %dma_start3A_15] : memref<10000x128xf32, #tpu.memory_space<hbm>> -> memref<10000x128xf32, #tpu.memory_space<hbm>>
      tpu.enqueue_indirect_dma source(%dma_start3A_16 : memref<10000x128xf32, #tpu.memory_space<hbm>>) target(%arg10 : memref<80x128xf32, #tpu.memory_space<vmem>>) offsets(%arg8 : memref<80xi32, #tpu.memory_space<vmem>>) semaphore(%arg12 : memref<!tpu.dma_semaphore, #tpu.memory_space<semaphore_mem>>)
      %dma_wait3A = arith.constant 0 : i32
      %dma_wait3A_17 = arith.constant 0 : i32
      %dma_wait3A_18 = tpu.memref_slice %arg2[%dma_wait3A, %dma_wait3A_17] : memref<10000x128xf32, #tpu.memory_space<hbm>> -> memref<10000x128xf32, #tpu.memory_space<hbm>>
      tpu.wait_indirect_dma semaphore(%arg11 : memref<!tpu.dma_semaphore, #tpu.memory_space<semaphore_mem>>) src(%dma_wait3A_18 : memref<10000x128xf32, #tpu.memory_space<hbm>>) dst(%arg9 : memref<80x128xf32, #tpu.memory_space<vmem>>)
      %dma_wait3A_19 = arith.constant 0 : i32
      %dma_wait3A_20 = arith.constant 0 : i32
      %dma_wait3A_21 = tpu.memref_slice %arg2[%dma_wait3A_19, %dma_wait3A_20] : memref<10000x128xf32, #tpu.memory_space<hbm>> -> memref<10000x128xf32, #tpu.memory_space<hbm>>
      tpu.wait_indirect_dma semaphore(%arg12 : memref<!tpu.dma_semaphore, #tpu.memory_space<semaphore_mem>>) src(%dma_wait3A_21 : memref<10000x128xf32, #tpu.memory_space<hbm>>) dst(%arg10 : memref<80x128xf32, #tpu.memory_space<vmem>>)
      "tpu.region"() ({
        %run_scoped3A = tpu.sem_alloc : memref<!tpu.dma_semaphore, #tpu.memory_space<semaphore_mem>>
        %dma_start3A_22 = arith.constant 0 : i32
        %dma_start3A_23 = tpu.memref_slice %arg5[%add3A_11, %dma_start3A_22] : memref<320000x128xf32, #tpu.memory_space<hbm>> -> memref<80x128xf32, #tpu.memory_space<hbm>>
        %dma_start3A_24 = arith.constant 0 : i32
        %dma_start3A_25 = tpu.memref_slice %arg5[%add3A_11, %dma_start3A_24] : memref<320000x128xf32, #tpu.memory_space<hbm>> -> memref<80x128xf32, #tpu.memory_space<hbm>>
        tpu.enqueue_dma source(%arg9 : memref<80x128xf32, #tpu.memory_space<vmem>>) target(%dma_start3A_25 : memref<80x128xf32, #tpu.memory_space<hbm>>) target_semaphore(%run_scoped3A : memref<!tpu.dma_semaphore, #tpu.memory_space<semaphore_mem>>)
        %dma_wait3A_26 = arith.constant 0 : i32
        %dma_wait3A_27 = tpu.memref_slice %arg5[%add3A_11, %dma_wait3A_26] : memref<320000x128xf32, #tpu.memory_space<hbm>> -> memref<80x128xf32, #tpu.memory_space<hbm>>
        %dma_wait3A_28 = arith.constant 0 : i32
        %dma_wait3A_29 = tpu.memref_slice %arg5[%add3A_11, %dma_wait3A_28] : memref<320000x128xf32, #tpu.memory_space<hbm>> -> memref<80x128xf32, #tpu.memory_space<hbm>>
        tpu.wait_dma2 semaphore(%run_scoped3A : memref<!tpu.dma_semaphore, #tpu.memory_space<semaphore_mem>>) src(%arg9 : memref<80x128xf32, #tpu.memory_space<vmem>>) dst(%dma_wait3A_29 : memref<80x128xf32, #tpu.memory_space<hbm>>)
        tpu.yield
      }) : () -> ()
      "tpu.region"() ({
        %run_scoped3A = tpu.sem_alloc : memref<!tpu.dma_semaphore, #tpu.memory_space<semaphore_mem>>
        %dma_start3A_22 = arith.constant 0 : i32
        %dma_start3A_23 = tpu.memref_slice %arg6[%add3A_11, %dma_start3A_22] : memref<320000x128xf32, #tpu.memory_space<hbm>> -> memref<80x128xf32, #tpu.memory_space<hbm>>
        %dma_start3A_24 = arith.constant 0 : i32
        %dma_start3A_25 = tpu.memref_slice %arg6[%add3A_11, %dma_start3A_24] : memref<320000x128xf32, #tpu.memory_space<hbm>> -> memref<80x128xf32, #tpu.memory_space<hbm>>
        tpu.enqueue_dma source(%arg10 : memref<80x128xf32, #tpu.memory_space<vmem>>) target(%dma_start3A_25 : memref<80x128xf32, #tpu.memory_space<hbm>>) target_semaphore(%run_scoped3A : memref<!tpu.dma_semaphore, #tpu.memory_space<semaphore_mem>>)
        %dma_wait3A_26 = arith.constant 0 : i32
        %dma_wait3A_27 = tpu.memref_slice %arg6[%add3A_11, %dma_wait3A_26] : memref<320000x128xf32, #tpu.memory_space<hbm>> -> memref<80x128xf32, #tpu.memory_space<hbm>>
        %dma_wait3A_28 = arith.constant 0 : i32
        %dma_wait3A_29 = tpu.memref_slice %arg6[%add3A_11, %dma_wait3A_28] : memref<320000x128xf32, #tpu.memory_space<hbm>> -> memref<80x128xf32, #tpu.memory_space<hbm>>
        tpu.wait_dma2 semaphore(%run_scoped3A : memref<!tpu.dma_semaphore, #tpu.memory_space<semaphore_mem>>) src(%arg10 : memref<80x128xf32, #tpu.memory_space<vmem>>) dst(%dma_wait3A_29 : memref<80x128xf32, #tpu.memory_space<hbm>>)
        tpu.yield
      }) : () -> ()
    }
    %scan3A_5 = arith.constant 125 : i32
    return
  }
}

#map = affine_map<(d0, d1) -> (0, 0)>
#map1 = affine_map<(d0, d1) -> (0)>
module attributes {stable_mosaic.version = 14 : i64} {
  func.func @gather_k(%arg0: i32, %arg1: i32, %arg2: memref<10000x128xf32, #tpu.memory_space<hbm>>, %arg3: memref<10000x128xf32, #tpu.memory_space<hbm>>, %arg4: memref<320000xi32, #tpu.memory_space<hbm>>, %arg5: memref<320000xi32, #tpu.memory_space<hbm>>, %arg6: memref<320000x128xf32, #tpu.memory_space<hbm>>, %arg7: memref<320000x128xf32, #tpu.memory_space<hbm>>, %arg8: memref<320000x128xf32, #tpu.memory_space<hbm>>, %arg9: memref<80xi32, #tpu.memory_space<vmem>>, %arg10: memref<80xi32, #tpu.memory_space<vmem>>, %arg11: memref<80x128xf32, #tpu.memory_space<vmem>>, %arg12: memref<80x128xf32, #tpu.memory_space<vmem>>, %arg13: memref<80x128xf32, #tpu.memory_space<vmem>>, %arg14: memref<!tpu.dma_semaphore, #tpu.memory_space<semaphore_mem>>, %arg15: memref<!tpu.dma_semaphore, #tpu.memory_space<semaphore_mem>>, %arg16: memref<!tpu.dma_semaphore, #tpu.memory_space<semaphore_mem>>) attributes {dimension_semantics = [#tpu.dimension_semantics<core_parallel>, #tpu.dimension_semantics<subcore_parallel>], iteration_bounds = array<i64: 2, 16>, scalar_prefetch = 0 : i64, scratch_operands = 8 : i64, tpu.core_type = #tpu.core_type<sc_vector_subcore>, window_params = [{transform_indices = #map}, {transform_indices = #map}, {transform_indices = #map1}, {transform_indices = #map1}, {transform_indices = #map}, {transform_indices = #map}, {transform_indices = #map}]} {
    %mul3A = arith.constant 2 : i32
    %mul3A_0 = arith.muli %arg1, %mul3A : i32
    %add3A = arith.addi %mul3A_0, %arg0 : i32
    %scan3A = arith.constant 0 : i32
    %scan3A_1 = arith.constant 0 : i32
    %scan3A_2 = arith.constant 125 : i32
    %scan3A_3 = arith.addi %scan3A_1, %scan3A_2 : i32
    %scan3A_4 = arith.constant 1 : i32
    scf.for %scan3A_6 = %scan3A_1 to %scan3A_3 step %scan3A_4  : i32 {
      %mul3A_7 = arith.constant 10000 : i32
      %mul3A_8 = arith.muli %add3A, %mul3A_7 : i32
      %mul3A_9 = arith.constant 80 : i32
      %mul3A_10 = arith.muli %scan3A_6, %mul3A_9 : i32
      %add3A_11 = arith.addi %mul3A_8, %mul3A_10 : i32
      "tpu.region"() ({
        %run_scoped3A = tpu.sem_alloc : memref<!tpu.dma_semaphore, #tpu.memory_space<semaphore_mem>>
        %dma_start3A_28 = tpu.memref_slice %arg4[%add3A_11] : memref<320000xi32, #tpu.memory_space<hbm>> -> memref<80xi32, #tpu.memory_space<hbm>>
        %dma_start3A_29 = tpu.memref_slice %arg4[%add3A_11] : memref<320000xi32, #tpu.memory_space<hbm>> -> memref<80xi32, #tpu.memory_space<hbm>>
        tpu.enqueue_dma source(%dma_start3A_29 : memref<80xi32, #tpu.memory_space<hbm>>) target(%arg9 : memref<80xi32, #tpu.memory_space<vmem>>) target_semaphore(%run_scoped3A : memref<!tpu.dma_semaphore, #tpu.memory_space<semaphore_mem>>)
        %dma_wait3A_30 = tpu.memref_slice %arg4[%add3A_11] : memref<320000xi32, #tpu.memory_space<hbm>> -> memref<80xi32, #tpu.memory_space<hbm>>
        %dma_wait3A_31 = tpu.memref_slice %arg4[%add3A_11] : memref<320000xi32, #tpu.memory_space<hbm>> -> memref<80xi32, #tpu.memory_space<hbm>>
        tpu.wait_dma2 semaphore(%run_scoped3A : memref<!tpu.dma_semaphore, #tpu.memory_space<semaphore_mem>>) src(%dma_wait3A_31 : memref<80xi32, #tpu.memory_space<hbm>>) dst(%arg9 : memref<80xi32, #tpu.memory_space<vmem>>)
        tpu.yield
      }) : () -> ()
      "tpu.region"() ({
        %run_scoped3A = tpu.sem_alloc : memref<!tpu.dma_semaphore, #tpu.memory_space<semaphore_mem>>
        %dma_start3A_28 = tpu.memref_slice %arg5[%add3A_11] : memref<320000xi32, #tpu.memory_space<hbm>> -> memref<80xi32, #tpu.memory_space<hbm>>
        %dma_start3A_29 = tpu.memref_slice %arg5[%add3A_11] : memref<320000xi32, #tpu.memory_space<hbm>> -> memref<80xi32, #tpu.memory_space<hbm>>
        tpu.enqueue_dma source(%dma_start3A_29 : memref<80xi32, #tpu.memory_space<hbm>>) target(%arg10 : memref<80xi32, #tpu.memory_space<vmem>>) target_semaphore(%run_scoped3A : memref<!tpu.dma_semaphore, #tpu.memory_space<semaphore_mem>>)
        %dma_wait3A_30 = tpu.memref_slice %arg5[%add3A_11] : memref<320000xi32, #tpu.memory_space<hbm>> -> memref<80xi32, #tpu.memory_space<hbm>>
        %dma_wait3A_31 = tpu.memref_slice %arg5[%add3A_11] : memref<320000xi32, #tpu.memory_space<hbm>> -> memref<80xi32, #tpu.memory_space<hbm>>
        tpu.wait_dma2 semaphore(%run_scoped3A : memref<!tpu.dma_semaphore, #tpu.memory_space<semaphore_mem>>) src(%dma_wait3A_31 : memref<80xi32, #tpu.memory_space<hbm>>) dst(%arg10 : memref<80xi32, #tpu.memory_space<vmem>>)
        tpu.yield
      }) : () -> ()
      %dma_start3A = arith.constant 0 : i32
      %dma_start3A_12 = arith.constant 0 : i32
      %dma_start3A_13 = tpu.memref_slice %arg2[%dma_start3A, %dma_start3A_12] : memref<10000x128xf32, #tpu.memory_space<hbm>> -> memref<10000x128xf32, #tpu.memory_space<hbm>>
      tpu.enqueue_indirect_dma source(%dma_start3A_13 : memref<10000x128xf32, #tpu.memory_space<hbm>>) target(%arg11 : memref<80x128xf32, #tpu.memory_space<vmem>>) offsets(%arg9 : memref<80xi32, #tpu.memory_space<vmem>>) semaphore(%arg14 : memref<!tpu.dma_semaphore, #tpu.memory_space<semaphore_mem>>)
      %dma_start3A_14 = arith.constant 0 : i32
      %dma_start3A_15 = arith.constant 0 : i32
      %dma_start3A_16 = tpu.memref_slice %arg2[%dma_start3A_14, %dma_start3A_15] : memref<10000x128xf32, #tpu.memory_space<hbm>> -> memref<10000x128xf32, #tpu.memory_space<hbm>>
      tpu.enqueue_indirect_dma source(%dma_start3A_16 : memref<10000x128xf32, #tpu.memory_space<hbm>>) target(%arg12 : memref<80x128xf32, #tpu.memory_space<vmem>>) offsets(%arg10 : memref<80xi32, #tpu.memory_space<vmem>>) semaphore(%arg15 : memref<!tpu.dma_semaphore, #tpu.memory_space<semaphore_mem>>)
      %dma_start3A_17 = arith.constant 0 : i32
      %dma_start3A_18 = arith.constant 0 : i32
      %dma_start3A_19 = tpu.memref_slice %arg3[%dma_start3A_17, %dma_start3A_18] : memref<10000x128xf32, #tpu.memory_space<hbm>> -> memref<10000x128xf32, #tpu.memory_space<hbm>>
      tpu.enqueue_indirect_dma source(%dma_start3A_19 : memref<10000x128xf32, #tpu.memory_space<hbm>>) target(%arg13 : memref<80x128xf32, #tpu.memory_space<vmem>>) offsets(%arg9 : memref<80xi32, #tpu.memory_space<vmem>>) semaphore(%arg16 : memref<!tpu.dma_semaphore, #tpu.memory_space<semaphore_mem>>)
      %dma_wait3A = arith.constant 0 : i32
      %dma_wait3A_20 = arith.constant 0 : i32
      %dma_wait3A_21 = tpu.memref_slice %arg2[%dma_wait3A, %dma_wait3A_20] : memref<10000x128xf32, #tpu.memory_space<hbm>> -> memref<10000x128xf32, #tpu.memory_space<hbm>>
      tpu.wait_indirect_dma semaphore(%arg14 : memref<!tpu.dma_semaphore, #tpu.memory_space<semaphore_mem>>) src(%dma_wait3A_21 : memref<10000x128xf32, #tpu.memory_space<hbm>>) dst(%arg11 : memref<80x128xf32, #tpu.memory_space<vmem>>)
      %dma_wait3A_22 = arith.constant 0 : i32
      %dma_wait3A_23 = arith.constant 0 : i32
      %dma_wait3A_24 = tpu.memref_slice %arg2[%dma_wait3A_22, %dma_wait3A_23] : memref<10000x128xf32, #tpu.memory_space<hbm>> -> memref<10000x128xf32, #tpu.memory_space<hbm>>
      tpu.wait_indirect_dma semaphore(%arg15 : memref<!tpu.dma_semaphore, #tpu.memory_space<semaphore_mem>>) src(%dma_wait3A_24 : memref<10000x128xf32, #tpu.memory_space<hbm>>) dst(%arg12 : memref<80x128xf32, #tpu.memory_space<vmem>>)
      %dma_wait3A_25 = arith.constant 0 : i32
      %dma_wait3A_26 = arith.constant 0 : i32
      %dma_wait3A_27 = tpu.memref_slice %arg3[%dma_wait3A_25, %dma_wait3A_26] : memref<10000x128xf32, #tpu.memory_space<hbm>> -> memref<10000x128xf32, #tpu.memory_space<hbm>>
      tpu.wait_indirect_dma semaphore(%arg16 : memref<!tpu.dma_semaphore, #tpu.memory_space<semaphore_mem>>) src(%dma_wait3A_27 : memref<10000x128xf32, #tpu.memory_space<hbm>>) dst(%arg13 : memref<80x128xf32, #tpu.memory_space<vmem>>)
      "tpu.region"() ({
        %run_scoped3A = tpu.sem_alloc : memref<!tpu.dma_semaphore, #tpu.memory_space<semaphore_mem>>
        %dma_start3A_28 = arith.constant 0 : i32
        %dma_start3A_29 = tpu.memref_slice %arg6[%add3A_11, %dma_start3A_28] : memref<320000x128xf32, #tpu.memory_space<hbm>> -> memref<80x128xf32, #tpu.memory_space<hbm>>
        %dma_start3A_30 = arith.constant 0 : i32
        %dma_start3A_31 = tpu.memref_slice %arg6[%add3A_11, %dma_start3A_30] : memref<320000x128xf32, #tpu.memory_space<hbm>> -> memref<80x128xf32, #tpu.memory_space<hbm>>
        tpu.enqueue_dma source(%arg11 : memref<80x128xf32, #tpu.memory_space<vmem>>) target(%dma_start3A_31 : memref<80x128xf32, #tpu.memory_space<hbm>>) target_semaphore(%run_scoped3A : memref<!tpu.dma_semaphore, #tpu.memory_space<semaphore_mem>>)
        %dma_wait3A_32 = arith.constant 0 : i32
        %dma_wait3A_33 = tpu.memref_slice %arg6[%add3A_11, %dma_wait3A_32] : memref<320000x128xf32, #tpu.memory_space<hbm>> -> memref<80x128xf32, #tpu.memory_space<hbm>>
        %dma_wait3A_34 = arith.constant 0 : i32
        %dma_wait3A_35 = tpu.memref_slice %arg6[%add3A_11, %dma_wait3A_34] : memref<320000x128xf32, #tpu.memory_space<hbm>> -> memref<80x128xf32, #tpu.memory_space<hbm>>
        tpu.wait_dma2 semaphore(%run_scoped3A : memref<!tpu.dma_semaphore, #tpu.memory_space<semaphore_mem>>) src(%arg11 : memref<80x128xf32, #tpu.memory_space<vmem>>) dst(%dma_wait3A_35 : memref<80x128xf32, #tpu.memory_space<hbm>>)
        tpu.yield
      }) : () -> ()
      "tpu.region"() ({
        %run_scoped3A = tpu.sem_alloc : memref<!tpu.dma_semaphore, #tpu.memory_space<semaphore_mem>>
        %dma_start3A_28 = arith.constant 0 : i32
        %dma_start3A_29 = tpu.memref_slice %arg7[%add3A_11, %dma_start3A_28] : memref<320000x128xf32, #tpu.memory_space<hbm>> -> memref<80x128xf32, #tpu.memory_space<hbm>>
        %dma_start3A_30 = arith.constant 0 : i32
        %dma_start3A_31 = tpu.memref_slice %arg7[%add3A_11, %dma_start3A_30] : memref<320000x128xf32, #tpu.memory_space<hbm>> -> memref<80x128xf32, #tpu.memory_space<hbm>>
        tpu.enqueue_dma source(%arg12 : memref<80x128xf32, #tpu.memory_space<vmem>>) target(%dma_start3A_31 : memref<80x128xf32, #tpu.memory_space<hbm>>) target_semaphore(%run_scoped3A : memref<!tpu.dma_semaphore, #tpu.memory_space<semaphore_mem>>)
        %dma_wait3A_32 = arith.constant 0 : i32
        %dma_wait3A_33 = tpu.memref_slice %arg7[%add3A_11, %dma_wait3A_32] : memref<320000x128xf32, #tpu.memory_space<hbm>> -> memref<80x128xf32, #tpu.memory_space<hbm>>
        %dma_wait3A_34 = arith.constant 0 : i32
        %dma_wait3A_35 = tpu.memref_slice %arg7[%add3A_11, %dma_wait3A_34] : memref<320000x128xf32, #tpu.memory_space<hbm>> -> memref<80x128xf32, #tpu.memory_space<hbm>>
        tpu.wait_dma2 semaphore(%run_scoped3A : memref<!tpu.dma_semaphore, #tpu.memory_space<semaphore_mem>>) src(%arg12 : memref<80x128xf32, #tpu.memory_space<vmem>>) dst(%dma_wait3A_35 : memref<80x128xf32, #tpu.memory_space<hbm>>)
        tpu.yield
      }) : () -> ()
      "tpu.region"() ({
        %run_scoped3A = tpu.sem_alloc : memref<!tpu.dma_semaphore, #tpu.memory_space<semaphore_mem>>
        %dma_start3A_28 = arith.constant 0 : i32
        %dma_start3A_29 = tpu.memref_slice %arg8[%add3A_11, %dma_start3A_28] : memref<320000x128xf32, #tpu.memory_space<hbm>> -> memref<80x128xf32, #tpu.memory_space<hbm>>
        %dma_start3A_30 = arith.constant 0 : i32
        %dma_start3A_31 = tpu.memref_slice %arg8[%add3A_11, %dma_start3A_30] : memref<320000x128xf32, #tpu.memory_space<hbm>> -> memref<80x128xf32, #tpu.memory_space<hbm>>
        tpu.enqueue_dma source(%arg13 : memref<80x128xf32, #tpu.memory_space<vmem>>) target(%dma_start3A_31 : memref<80x128xf32, #tpu.memory_space<hbm>>) target_semaphore(%run_scoped3A : memref<!tpu.dma_semaphore, #tpu.memory_space<semaphore_mem>>)
        %dma_wait3A_32 = arith.constant 0 : i32
        %dma_wait3A_33 = tpu.memref_slice %arg8[%add3A_11, %dma_wait3A_32] : memref<320000x128xf32, #tpu.memory_space<hbm>> -> memref<80x128xf32, #tpu.memory_space<hbm>>
        %dma_wait3A_34 = arith.constant 0 : i32
        %dma_wait3A_35 = tpu.memref_slice %arg8[%add3A_11, %dma_wait3A_34] : memref<320000x128xf32, #tpu.memory_space<hbm>> -> memref<80x128xf32, #tpu.memory_space<hbm>>
        tpu.wait_dma2 semaphore(%run_scoped3A : memref<!tpu.dma_semaphore, #tpu.memory_space<semaphore_mem>>) src(%arg13 : memref<80x128xf32, #tpu.memory_space<vmem>>) dst(%dma_wait3A_35 : memref<80x128xf32, #tpu.memory_space<hbm>>)
        tpu.yield
      }) : () -> ()
    }
    %scan3A_5 = arith.constant 125 : i32
    return
  }
}

#map = affine_map<(d0, d1) -> (0, 0)>
#map1 = affine_map<(d0, d1) -> (0)>
#map2 = affine_map<(d0, d1) -> (0, 0, 0)>
module attributes {stable_mosaic.version = 14 : i64} {
  func.func @scatter_k(%arg0: i32, %arg1: i32, %arg2: memref<320000x128xf32, #tpu.memory_space<hbm>>, %arg3: memref<320000xi32, #tpu.memory_space<hbm>>, %arg4: memref<2x10000x128xf32, #tpu.memory_space<hbm>>, %arg5: memref<80xi32, #tpu.memory_space<vmem>>, %arg6: memref<80x128xf32, #tpu.memory_space<vmem>>, %arg7: memref<208x128xf32, #tpu.memory_space<vmem>>, %arg8: memref<10000x128xf32, #tpu.memory_space<vmem_shared>>, %arg9: memref<!tpu.dma_semaphore, #tpu.memory_space<semaphore_mem>>) attributes {dimension_semantics = [#tpu.dimension_semantics<core_parallel>, #tpu.dimension_semantics<subcore_parallel>], iteration_bounds = array<i64: 2, 16>, scalar_prefetch = 0 : i64, scratch_operands = 5 : i64, tpu.core_type = #tpu.core_type<sc_vector_subcore>, window_params = [{transform_indices = #map}, {transform_indices = #map1}, {transform_indices = #map2}]} {
    %mul3A = arith.constant 2 : i32
    %mul3A_0 = arith.muli %arg1, %mul3A : i32
    %add3A = arith.addi %mul3A_0, %arg0 : i32
    %broadcast_in_dim3A = arith.constant 0.000000e+00 : f32
    %broadcast_in_dim3A_1 = vector.broadcast %broadcast_in_dim3A : f32 to vector<16xf32>
    %scan3A = arith.constant 0 : i32
    %scan3A_2 = arith.constant 0 : i32
    %scan3A_3 = arith.constant 208 : i32
    %scan3A_4 = arith.addi %scan3A_2, %scan3A_3 : i32
    %scan3A_5 = arith.constant 1 : i32
    scf.for %scan3A_37 = %scan3A_2 to %scan3A_4 step %scan3A_5  : i32 {
      %swap3A = arith.index_cast %scan3A_37 : i32 to index
      %swap3A_38 = arith.constant 0 : index
      %swap3A_39 = tpu.vector_load %arg7[%swap3A, %swap3A_38] {strides = array<i32>} : memref<208x128xf32, #tpu.memory_space<vmem>>, vector<1x16xf32>,
      %swap3A_40 = vector.shape_cast %swap3A_39 : vector<1x16xf32> to vector<16xf32>
      %swap3A_41 = vector.shape_cast %broadcast_in_dim3A_1 : vector<16xf32> to vector<1x16xf32>
      tpu.vector_store %arg7[%swap3A, %swap3A_38], %swap3A_41 {strides = array<i32>} : memref<208x128xf32, #tpu.memory_space<vmem>>, vector<1x16xf32>,
      %swap3A_42 = arith.index_cast %scan3A_37 : i32 to index
      %swap3A_43 = arith.constant 16 : index
      %swap3A_44 = tpu.vector_load %arg7[%swap3A_42, %swap3A_43] {strides = array<i32>} : memref<208x128xf32, #tpu.memory_space<vmem>>, vector<1x16xf32>,
      %swap3A_45 = vector.shape_cast %swap3A_44 : vector<1x16xf32> to vector<16xf32>
      %swap3A_46 = vector.shape_cast %broadcast_in_dim3A_1 : vector<16xf32> to vector<1x16xf32>
      tpu.vector_store %arg7[%swap3A_42, %swap3A_43], %swap3A_46 {strides = array<i32>} : memref<208x128xf32, #tpu.memory_space<vmem>>, vector<1x16xf32>,
      %swap3A_47 = arith.index_cast %scan3A_37 : i32 to index
      %swap3A_48 = arith.constant 32 : index
      %swap3A_49 = tpu.vector_load %arg7[%swap3A_47, %swap3A_48] {strides = array<i32>} : memref<208x128xf32, #tpu.memory_space<vmem>>, vector<1x16xf32>,
      %swap3A_50 = vector.shape_cast %swap3A_49 : vector<1x16xf32> to vector<16xf32>
      %swap3A_51 = vector.shape_cast %broadcast_in_dim3A_1 : vector<16xf32> to vector<1x16xf32>
      tpu.vector_store %arg7[%swap3A_47, %swap3A_48], %swap3A_51 {strides = array<i32>} : memref<208x128xf32, #tpu.memory_space<vmem>>, vector<1x16xf32>,
      %swap3A_52 = arith.index_cast %scan3A_37 : i32 to index
      %swap3A_53 = arith.constant 48 : index
      %swap3A_54 = tpu.vector_load %arg7[%swap3A_52, %swap3A_53] {strides = array<i32>} : memref<208x128xf32, #tpu.memory_space<vmem>>, vector<1x16xf32>,
      %swap3A_55 = vector.shape_cast %swap3A_54 : vector<1x16xf32> to vector<16xf32>
      %swap3A_56 = vector.shape_cast %broadcast_in_dim3A_1 : vector<16xf32> to vector<1x16xf32>
      tpu.vector_store %arg7[%swap3A_52, %swap3A_53], %swap3A_56 {strides = array<i32>} : memref<208x128xf32, #tpu.memory_space<vmem>>, vector<1x16xf32>,
      %swap3A_57 = arith.index_cast %scan3A_37 : i32 to index
      %swap3A_58 = arith.constant 64 : index
      %swap3A_59 = tpu.vector_load %arg7[%swap3A_57, %swap3A_58] {strides = array<i32>} : memref<208x128xf32, #tpu.memory_space<vmem>>, vector<1x16xf32>,
      %swap3A_60 = vector.shape_cast %swap3A_59 : vector<1x16xf32> to vector<16xf32>
      %swap3A_61 = vector.shape_cast %broadcast_in_dim3A_1 : vector<16xf32> to vector<1x16xf32>
      tpu.vector_store %arg7[%swap3A_57, %swap3A_58], %swap3A_61 {strides = array<i32>} : memref<208x128xf32, #tpu.memory_space<vmem>>, vector<1x16xf32>,
      %swap3A_62 = arith.index_cast %scan3A_37 : i32 to index
      %swap3A_63 = arith.constant 80 : index
      %swap3A_64 = tpu.vector_load %arg7[%swap3A_62, %swap3A_63] {strides = array<i32>} : memref<208x128xf32, #tpu.memory_space<vmem>>, vector<1x16xf32>,
      %swap3A_65 = vector.shape_cast %swap3A_64 : vector<1x16xf32> to vector<16xf32>
      %swap3A_66 = vector.shape_cast %broadcast_in_dim3A_1 : vector<16xf32> to vector<1x16xf32>
      tpu.vector_store %arg7[%swap3A_62, %swap3A_63], %swap3A_66 {strides = array<i32>} : memref<208x128xf32, #tpu.memory_space<vmem>>, vector<1x16xf32>,
      %swap3A_67 = arith.index_cast %scan3A_37 : i32 to index
      %swap3A_68 = arith.constant 96 : index
      %swap3A_69 = tpu.vector_load %arg7[%swap3A_67, %swap3A_68] {strides = array<i32>} : memref<208x128xf32, #tpu.memory_space<vmem>>, vector<1x16xf32>,
      %swap3A_70 = vector.shape_cast %swap3A_69 : vector<1x16xf32> to vector<16xf32>
      %swap3A_71 = vector.shape_cast %broadcast_in_dim3A_1 : vector<16xf32> to vector<1x16xf32>
      tpu.vector_store %arg7[%swap3A_67, %swap3A_68], %swap3A_71 {strides = array<i32>} : memref<208x128xf32, #tpu.memory_space<vmem>>, vector<1x16xf32>,
      %swap3A_72 = arith.index_cast %scan3A_37 : i32 to index
      %swap3A_73 = arith.constant 112 : index
      %swap3A_74 = tpu.vector_load %arg7[%swap3A_72, %swap3A_73] {strides = array<i32>} : memref<208x128xf32, #tpu.memory_space<vmem>>, vector<1x16xf32>,
      %swap3A_75 = vector.shape_cast %swap3A_74 : vector<1x16xf32> to vector<16xf32>
      %swap3A_76 = vector.shape_cast %broadcast_in_dim3A_1 : vector<16xf32> to vector<1x16xf32>
      tpu.vector_store %arg7[%swap3A_72, %swap3A_73], %swap3A_76 {strides = array<i32>} : memref<208x128xf32, #tpu.memory_space<vmem>>, vector<1x16xf32>,
    }
    %scan3A_6 = arith.constant 208 : i32
    %mul3A_7 = arith.constant 624 : i32
    %mul3A_8 = arith.muli %arg1, %mul3A_7 : i32
    %add3A_9 = arith.constant 0 : i32
    %add3A_10 = arith.addi %mul3A_8, %add3A_9 : i32
    "tpu.region"() ({
      %run_scoped3A = tpu.sem_alloc : memref<!tpu.dma_semaphore, #tpu.memory_space<semaphore_mem>>
      %dma_start3A = arith.constant 0 : i32
      %dma_start3A_37 = tpu.memref_slice %arg8[%add3A_10, %dma_start3A] : memref<10000x128xf32, #tpu.memory_space<vmem_shared>> -> memref<208x128xf32, #tpu.memory_space<vmem_shared>>
      %dma_start3A_38 = arith.constant 0 : i32
      %dma_start3A_39 = tpu.memref_slice %arg8[%add3A_10, %dma_start3A_38] : memref<10000x128xf32, #tpu.memory_space<vmem_shared>> -> memref<208x128xf32, #tpu.memory_space<vmem_shared>>
      tpu.enqueue_dma source(%arg7 : memref<208x128xf32, #tpu.memory_space<vmem>>) target(%dma_start3A_39 : memref<208x128xf32, #tpu.memory_space<vmem_shared>>) target_semaphore(%run_scoped3A : memref<!tpu.dma_semaphore, #tpu.memory_space<semaphore_mem>>)
      %dma_wait3A = arith.constant 0 : i32
      %dma_wait3A_40 = tpu.memref_slice %arg8[%add3A_10, %dma_wait3A] : memref<10000x128xf32, #tpu.memory_space<vmem_shared>> -> memref<208x128xf32, #tpu.memory_space<vmem_shared>>
      %dma_wait3A_41 = arith.constant 0 : i32
      %dma_wait3A_42 = tpu.memref_slice %arg8[%add3A_10, %dma_wait3A_41] : memref<10000x128xf32, #tpu.memory_space<vmem_shared>> -> memref<208x128xf32, #tpu.memory_space<vmem_shared>>
      tpu.wait_dma2 semaphore(%run_scoped3A : memref<!tpu.dma_semaphore, #tpu.memory_space<semaphore_mem>>) src(%arg7 : memref<208x128xf32, #tpu.memory_space<vmem>>) dst(%dma_wait3A_42 : memref<208x128xf32, #tpu.memory_space<vmem_shared>>)
      tpu.yield
    }) : () -> ()
    %mul3A_11 = arith.constant 624 : i32
    %mul3A_12 = arith.muli %arg1, %mul3A_11 : i32
    %add3A_13 = arith.constant 208 : i32
    %add3A_14 = arith.addi %mul3A_12, %add3A_13 : i32
    "tpu.region"() ({
      %run_scoped3A = tpu.sem_alloc : memref<!tpu.dma_semaphore, #tpu.memory_space<semaphore_mem>>
      %dma_start3A = arith.constant 0 : i32
      %dma_start3A_37 = tpu.memref_slice %arg8[%add3A_14, %dma_start3A] : memref<10000x128xf32, #tpu.memory_space<vmem_shared>> -> memref<208x128xf32, #tpu.memory_space<vmem_shared>>
      %dma_start3A_38 = arith.constant 0 : i32
      %dma_start3A_39 = tpu.memref_slice %arg8[%add3A_14, %dma_start3A_38] : memref<10000x128xf32, #tpu.memory_space<vmem_shared>> -> memref<208x128xf32, #tpu.memory_space<vmem_shared>>
      tpu.enqueue_dma source(%arg7 : memref<208x128xf32, #tpu.memory_space<vmem>>) target(%dma_start3A_39 : memref<208x128xf32, #tpu.memory_space<vmem_shared>>) target_semaphore(%run_scoped3A : memref<!tpu.dma_semaphore, #tpu.memory_space<semaphore_mem>>)
      %dma_wait3A = arith.constant 0 : i32
      %dma_wait3A_40 = tpu.memref_slice %arg8[%add3A_14, %dma_wait3A] : memref<10000x128xf32, #tpu.memory_space<vmem_shared>> -> memref<208x128xf32, #tpu.memory_space<vmem_shared>>
      %dma_wait3A_41 = arith.constant 0 : i32
      %dma_wait3A_42 = tpu.memref_slice %arg8[%add3A_14, %dma_wait3A_41] : memref<10000x128xf32, #tpu.memory_space<vmem_shared>> -> memref<208x128xf32, #tpu.memory_space<vmem_shared>>
      tpu.wait_dma2 semaphore(%run_scoped3A : memref<!tpu.dma_semaphore, #tpu.memory_space<semaphore_mem>>) src(%arg7 : memref<208x128xf32, #tpu.memory_space<vmem>>) dst(%dma_wait3A_42 : memref<208x128xf32, #tpu.memory_space<vmem_shared>>)
      tpu.yield
    }) : () -> ()
    %mul3A_15 = arith.constant 624 : i32
    %mul3A_16 = arith.muli %arg1, %mul3A_15 : i32
    %add3A_17 = arith.constant 416 : i32
    %add3A_18 = arith.addi %mul3A_16, %add3A_17 : i32
    "tpu.region"() ({
      %run_scoped3A = tpu.sem_alloc : memref<!tpu.dma_semaphore, #tpu.memory_space<semaphore_mem>>
      %dma_start3A = arith.constant 0 : i32
      %dma_start3A_37 = tpu.memref_slice %arg8[%add3A_18, %dma_start3A] : memref<10000x128xf32, #tpu.memory_space<vmem_shared>> -> memref<208x128xf32, #tpu.memory_space<vmem_shared>>
      %dma_start3A_38 = arith.constant 0 : i32
      %dma_start3A_39 = tpu.memref_slice %arg8[%add3A_18, %dma_start3A_38] : memref<10000x128xf32, #tpu.memory_space<vmem_shared>> -> memref<208x128xf32, #tpu.memory_space<vmem_shared>>
      tpu.enqueue_dma source(%arg7 : memref<208x128xf32, #tpu.memory_space<vmem>>) target(%dma_start3A_39 : memref<208x128xf32, #tpu.memory_space<vmem_shared>>) target_semaphore(%run_scoped3A : memref<!tpu.dma_semaphore, #tpu.memory_space<semaphore_mem>>)
      %dma_wait3A = arith.constant 0 : i32
      %dma_wait3A_40 = tpu.memref_slice %arg8[%add3A_18, %dma_wait3A] : memref<10000x128xf32, #tpu.memory_space<vmem_shared>> -> memref<208x128xf32, #tpu.memory_space<vmem_shared>>
      %dma_wait3A_41 = arith.constant 0 : i32
      %dma_wait3A_42 = tpu.memref_slice %arg8[%add3A_18, %dma_wait3A_41] : memref<10000x128xf32, #tpu.memory_space<vmem_shared>> -> memref<208x128xf32, #tpu.memory_space<vmem_shared>>
      tpu.wait_dma2 semaphore(%run_scoped3A : memref<!tpu.dma_semaphore, #tpu.memory_space<semaphore_mem>>) src(%arg7 : memref<208x128xf32, #tpu.memory_space<vmem>>) dst(%dma_wait3A_42 : memref<208x128xf32, #tpu.memory_space<vmem_shared>>)
      tpu.yield
    }) : () -> ()
    %eq3A = arith.constant 15 : i32
    %eq3A_19 = arith.cmpi eq, %arg1, %eq3A : i32
    %convert_element_type3A = arith.extui %eq3A_19 : i1 to i32
    %cond3A = arith.constant 0 : i32
    %cond3A_20 = arith.cmpi ne, %convert_element_type3A, %cond3A : i32
    scf.if %cond3A_20 {
      "tpu.region"() ({
        %run_scoped3A = tpu.sem_alloc : memref<!tpu.dma_semaphore, #tpu.memory_space<semaphore_mem>>
        %dma_start3A = arith.constant 0 : i32
        %dma_start3A_37 = arith.constant 0 : i32
        %dma_start3A_38 = tpu.memref_slice %arg7[%dma_start3A, %dma_start3A_37] : memref<208x128xf32, #tpu.memory_space<vmem>> -> memref<16x128xf32, #tpu.memory_space<vmem>>
        %dma_start3A_39 = arith.constant 9984 : i32
        %dma_start3A_40 = arith.constant 0 : i32
        %dma_start3A_41 = tpu.memref_slice %arg8[%dma_start3A_39, %dma_start3A_40] : memref<10000x128xf32, #tpu.memory_space<vmem_shared>> -> memref<16x128xf32, #tpu.memory_space<vmem_shared>>
        %dma_start3A_42 = arith.constant 9984 : i32
        %dma_start3A_43 = arith.constant 0 : i32
        %dma_start3A_44 = tpu.memref_slice %arg8[%dma_start3A_42, %dma_start3A_43] : memref<10000x128xf32, #tpu.memory_space<vmem_shared>> -> memref<16x128xf32, #tpu.memory_space<vmem_shared>>
        %dma_start3A_45 = arith.constant 0 : i32
        %dma_start3A_46 = arith.constant 0 : i32
        %dma_start3A_47 = tpu.memref_slice %arg7[%dma_start3A_45, %dma_start3A_46] : memref<208x128xf32, #tpu.memory_space<vmem>> -> memref<16x128xf32, #tpu.memory_space<vmem>>
        tpu.enqueue_dma source(%dma_start3A_47 : memref<16x128xf32, #tpu.memory_space<vmem>>) target(%dma_start3A_44 : memref<16x128xf32, #tpu.memory_space<vmem_shared>>) target_semaphore(%run_scoped3A : memref<!tpu.dma_semaphore, #tpu.memory_space<semaphore_mem>>)
        %dma_wait3A = arith.constant 0 : i32
        %dma_wait3A_48 = arith.constant 0 : i32
        %dma_wait3A_49 = tpu.memref_slice %arg7[%dma_wait3A, %dma_wait3A_48] : memref<208x128xf32, #tpu.memory_space<vmem>> -> memref<16x128xf32, #tpu.memory_space<vmem>>
        %dma_wait3A_50 = arith.constant 9984 : i32
        %dma_wait3A_51 = arith.constant 0 : i32
        %dma_wait3A_52 = tpu.memref_slice %arg8[%dma_wait3A_50, %dma_wait3A_51] : memref<10000x128xf32, #tpu.memory_space<vmem_shared>> -> memref<16x128xf32, #tpu.memory_space<vmem_shared>>
        %dma_wait3A_53 = arith.constant 9984 : i32
        %dma_wait3A_54 = arith.constant 0 : i32
        %dma_wait3A_55 = tpu.memref_slice %arg8[%dma_wait3A_53, %dma_wait3A_54] : memref<10000x128xf32, #tpu.memory_space<vmem_shared>> -> memref<16x128xf32, #tpu.memory_space<vmem_shared>>
        %dma_wait3A_56 = arith.constant 0 : i32
        %dma_wait3A_57 = arith.constant 0 : i32
        %dma_wait3A_58 = tpu.memref_slice %arg7[%dma_wait3A_56, %dma_wait3A_57] : memref<208x128xf32, #tpu.memory_space<vmem>> -> memref<16x128xf32, #tpu.memory_space<vmem>>
        tpu.wait_dma2 semaphore(%run_scoped3A : memref<!tpu.dma_semaphore, #tpu.memory_space<semaphore_mem>>) src(%dma_wait3A_58 : memref<16x128xf32, #tpu.memory_space<vmem>>) dst(%dma_wait3A_55 : memref<16x128xf32, #tpu.memory_space<vmem_shared>>)
        tpu.yield
      }) : () -> ()
    } else {
    }
    %barrier3A = arith.constant 0 : index
    tpu.barrier barrier_id(%barrier3A)
    %scan3A_21 = arith.constant 0 : i32
    %scan3A_22 = arith.constant 0 : i32
    %scan3A_23 = arith.constant 125 : i32
    %scan3A_24 = arith.addi %scan3A_22, %scan3A_23 : i32
    %scan3A_25 = arith.constant 1 : i32
    scf.for %scan3A_37 = %scan3A_22 to %scan3A_24 step %scan3A_25  : i32 {
      %mul3A_38 = arith.constant 10000 : i32
      %mul3A_39 = arith.muli %add3A, %mul3A_38 : i32
      %mul3A_40 = arith.constant 80 : i32
      %mul3A_41 = arith.muli %scan3A_37, %mul3A_40 : i32
      %add3A_42 = arith.addi %mul3A_39, %mul3A_41 : i32
      "tpu.region"() ({
        %run_scoped3A = tpu.sem_alloc : memref<!tpu.dma_semaphore, #tpu.memory_space<semaphore_mem>>
        %dma_start3A = tpu.memref_slice %arg3[%add3A_42] : memref<320000xi32, #tpu.memory_space<hbm>> -> memref<80xi32, #tpu.memory_space<hbm>>
        %dma_start3A_43 = tpu.memref_slice %arg3[%add3A_42] : memref<320000xi32, #tpu.memory_space<hbm>> -> memref<80xi32, #tpu.memory_space<hbm>>
        tpu.enqueue_dma source(%dma_start3A_43 : memref<80xi32, #tpu.memory_space<hbm>>) target(%arg5 : memref<80xi32, #tpu.memory_space<vmem>>) target_semaphore(%run_scoped3A : memref<!tpu.dma_semaphore, #tpu.memory_space<semaphore_mem>>)
        %dma_wait3A = tpu.memref_slice %arg3[%add3A_42] : memref<320000xi32, #tpu.memory_space<hbm>> -> memref<80xi32, #tpu.memory_space<hbm>>
        %dma_wait3A_44 = tpu.memref_slice %arg3[%add3A_42] : memref<320000xi32, #tpu.memory_space<hbm>> -> memref<80xi32, #tpu.memory_space<hbm>>
        tpu.wait_dma2 semaphore(%run_scoped3A : memref<!tpu.dma_semaphore, #tpu.memory_space<semaphore_mem>>) src(%dma_wait3A_44 : memref<80xi32, #tpu.memory_space<hbm>>) dst(%arg5 : memref<80xi32, #tpu.memory_space<vmem>>)
        tpu.yield
      }) : () -> ()
      "tpu.region"() ({
        %run_scoped3A = tpu.sem_alloc : memref<!tpu.dma_semaphore, #tpu.memory_space<semaphore_mem>>
        %dma_start3A = arith.constant 0 : i32
        %dma_start3A_43 = tpu.memref_slice %arg2[%add3A_42, %dma_start3A] : memref<320000x128xf32, #tpu.memory_space<hbm>> -> memref<80x128xf32, #tpu.memory_space<hbm>>
        %dma_start3A_44 = arith.constant 0 : i32
        %dma_start3A_45 = tpu.memref_slice %arg2[%add3A_42, %dma_start3A_44] : memref<320000x128xf32, #tpu.memory_space<hbm>> -> memref<80x128xf32, #tpu.memory_space<hbm>>
        tpu.enqueue_dma source(%dma_start3A_45 : memref<80x128xf32, #tpu.memory_space<hbm>>) target(%arg6 : memref<80x128xf32, #tpu.memory_space<vmem>>) target_semaphore(%run_scoped3A : memref<!tpu.dma_semaphore, #tpu.memory_space<semaphore_mem>>)
        %dma_wait3A = arith.constant 0 : i32
        %dma_wait3A_46 = tpu.memref_slice %arg2[%add3A_42, %dma_wait3A] : memref<320000x128xf32, #tpu.memory_space<hbm>> -> memref<80x128xf32, #tpu.memory_space<hbm>>
        %dma_wait3A_47 = arith.constant 0 : i32
        %dma_wait3A_48 = tpu.memref_slice %arg2[%add3A_42, %dma_wait3A_47] : memref<320000x128xf32, #tpu.memory_space<hbm>> -> memref<80x128xf32, #tpu.memory_space<hbm>>
        tpu.wait_dma2 semaphore(%run_scoped3A : memref<!tpu.dma_semaphore, #tpu.memory_space<semaphore_mem>>) src(%dma_wait3A_48 : memref<80x128xf32, #tpu.memory_space<hbm>>) dst(%arg6 : memref<80x128xf32, #tpu.memory_space<vmem>>)
        tpu.yield
      }) : () -> ()
      "tpu.region"() ({
        %run_scoped3A = tpu.sem_alloc : memref<!tpu.dma_semaphore, #tpu.memory_space<semaphore_mem>>
        %dma_start3A = arith.constant 0 : i32
        %dma_start3A_43 = arith.constant 0 : i32
        %dma_start3A_44 = tpu.memref_slice %arg8[%dma_start3A, %dma_start3A_43] : memref<10000x128xf32, #tpu.memory_space<vmem_shared>> -> memref<10000x128xf32, #tpu.memory_space<vmem_shared>>
        tpu.enqueue_indirect_dma source(%arg6 : memref<80x128xf32, #tpu.memory_space<vmem>>) target(%dma_start3A_44 : memref<10000x128xf32, #tpu.memory_space<vmem_shared>>) offsets(%arg5 : memref<80xi32, #tpu.memory_space<vmem>>) semaphore(%run_scoped3A : memref<!tpu.dma_semaphore, #tpu.memory_space<semaphore_mem>>) {add = true}
        %dma_wait3A = arith.constant 0 : i32
        %dma_wait3A_45 = arith.constant 0 : i32
        %dma_wait3A_46 = tpu.memref_slice %arg8[%dma_wait3A, %dma_wait3A_45] : memref<10000x128xf32, #tpu.memory_space<vmem_shared>> -> memref<10000x128xf32, #tpu.memory_space<vmem_shared>>
        tpu.wait_indirect_dma semaphore(%run_scoped3A : memref<!tpu.dma_semaphore, #tpu.memory_space<semaphore_mem>>) src(%arg6 : memref<80x128xf32, #tpu.memory_space<vmem>>) dst(%dma_wait3A_46 : memref<10000x128xf32, #tpu.memory_space<vmem_shared>>)
        tpu.yield
      }) : () -> ()
    }
    %scan3A_26 = arith.constant 125 : i32
    %barrier3A_27 = arith.constant 0 : index
    tpu.barrier barrier_id(%barrier3A_27)
    %mul3A_28 = arith.constant 624 : i32
    %mul3A_29 = arith.muli %arg1, %mul3A_28 : i32
    %mul3A_30 = arith.constant 624 : i32
    %mul3A_31 = arith.muli %arg1, %mul3A_30 : i32
    "tpu.region"() ({
      %run_scoped3A = tpu.sem_alloc : memref<!tpu.dma_semaphore, #tpu.memory_space<semaphore_mem>>
      %dma_start3A = arith.constant 0 : i32
      %dma_start3A_37 = tpu.memref_slice %arg4[%arg0, %mul3A_31, %dma_start3A] : memref<2x10000x128xf32, #tpu.memory_space<hbm>> -> memref<1x624x128xf32, #tpu.memory_space<hbm>>
      %dma_start3A_38 = tpu.memref_squeeze %dma_start3A_37 : memref<1x624x128xf32, #tpu.memory_space<hbm>> -> memref<624x128xf32, #tpu.memory_space<hbm>>
      %dma_start3A_39 = arith.constant 0 : i32
      %dma_start3A_40 = tpu.memref_slice %arg8[%mul3A_29, %dma_start3A_39] : memref<10000x128xf32, #tpu.memory_space<vmem_shared>> -> memref<624x128xf32, #tpu.memory_space<vmem_shared>>
      tpu.enqueue_dma source(%dma_start3A_40 : memref<624x128xf32, #tpu.memory_space<vmem_shared>>) target(%dma_start3A_38 : memref<624x128xf32, #tpu.memory_space<hbm>>) target_semaphore(%run_scoped3A : memref<!tpu.dma_semaphore, #tpu.memory_space<semaphore_mem>>)
      %dma_wait3A = arith.constant 0 : i32
      %dma_wait3A_41 = tpu.memref_slice %arg4[%arg0, %mul3A_31, %dma_wait3A] : memref<2x10000x128xf32, #tpu.memory_space<hbm>> -> memref<1x624x128xf32, #tpu.memory_space<hbm>>
      %dma_wait3A_42 = tpu.memref_squeeze %dma_wait3A_41 : memref<1x624x128xf32, #tpu.memory_space<hbm>> -> memref<624x128xf32, #tpu.memory_space<hbm>>
      %dma_wait3A_43 = arith.constant 0 : i32
      %dma_wait3A_44 = tpu.memref_slice %arg8[%mul3A_29, %dma_wait3A_43] : memref<10000x128xf32, #tpu.memory_space<vmem_shared>> -> memref<624x128xf32, #tpu.memory_space<vmem_shared>>
      tpu.wait_dma2 semaphore(%run_scoped3A : memref<!tpu.dma_semaphore, #tpu.memory_space<semaphore_mem>>) src(%dma_wait3A_44 : memref<624x128xf32, #tpu.memory_space<vmem_shared>>) dst(%dma_wait3A_42 : memref<624x128xf32, #tpu.memory_space<hbm>>)
      tpu.yield
    }) : () -> ()
    %eq3A_32 = arith.constant 15 : i32
    %eq3A_33 = arith.cmpi eq, %arg1, %eq3A_32 : i32
    %convert_element_type3A_34 = arith.extui %eq3A_33 : i1 to i32
    %cond3A_35 = arith.constant 0 : i32
    %cond3A_36 = arith.cmpi ne, %convert_element_type3A_34, %cond3A_35 : i32
    scf.if %cond3A_36 {
      "tpu.region"() ({
        %run_scoped3A = tpu.sem_alloc : memref<!tpu.dma_semaphore, #tpu.memory_space<semaphore_mem>>
        %dma_start3A = arith.constant 9984 : i32
        %dma_start3A_37 = arith.constant 0 : i32
        %dma_start3A_38 = tpu.memref_slice %arg4[%arg0, %dma_start3A, %dma_start3A_37] : memref<2x10000x128xf32, #tpu.memory_space<hbm>> -> memref<1x16x128xf32, #tpu.memory_space<hbm>>
        %dma_start3A_39 = tpu.memref_squeeze %dma_start3A_38 : memref<1x16x128xf32, #tpu.memory_space<hbm>> -> memref<16x128xf32, #tpu.memory_space<hbm>>
        %dma_start3A_40 = arith.constant 9984 : i32
        %dma_start3A_41 = arith.constant 0 : i32
        %dma_start3A_42 = tpu.memref_slice %arg8[%dma_start3A_40, %dma_start3A_41] : memref<10000x128xf32, #tpu.memory_space<vmem_shared>> -> memref<16x128xf32, #tpu.memory_space<vmem_shared>>
        tpu.enqueue_dma source(%dma_start3A_42 : memref<16x128xf32, #tpu.memory_space<vmem_shared>>) target(%dma_start3A_39 : memref<16x128xf32, #tpu.memory_space<hbm>>) target_semaphore(%run_scoped3A : memref<!tpu.dma_semaphore, #tpu.memory_space<semaphore_mem>>)
        %dma_wait3A = arith.constant 9984 : i32
        %dma_wait3A_43 = arith.constant 0 : i32
        %dma_wait3A_44 = tpu.memref_slice %arg4[%arg0, %dma_wait3A, %dma_wait3A_43] : memref<2x10000x128xf32, #tpu.memory_space<hbm>> -> memref<1x16x128xf32, #tpu.memory_space<hbm>>
        %dma_wait3A_45 = tpu.memref_squeeze %dma_wait3A_44 : memref<1x16x128xf32, #tpu.memory_space<hbm>> -> memref<16x128xf32, #tpu.memory_space<hbm>>
        %dma_wait3A_46 = arith.constant 9984 : i32
        %dma_wait3A_47 = arith.constant 0 : i32
        %dma_wait3A_48 = tpu.memref_slice %arg8[%dma_wait3A_46, %dma_wait3A_47] : memref<10000x128xf32, #tpu.memory_space<vmem_shared>> -> memref<16x128xf32, #tpu.memory_space<vmem_shared>>
        tpu.wait_dma2 semaphore(%run_scoped3A : memref<!tpu.dma_semaphore, #tpu.memory_space<semaphore_mem>>) src(%dma_wait3A_48 : memref<16x128xf32, #tpu.memory_space<vmem_shared>>) dst(%dma_wait3A_45 : memref<16x128xf32, #tpu.memory_space<hbm>>)
        tpu.yield
      }) : () -> ()
    } else {
    }
    return
  }
}

module attributes {stable_mosaic.version = 14 : i64} {
  func.func @_node_embed_body(%arg0: i32, %arg1: memref<2000x128xf32, #tpu.memory_space<vmem>>, %arg2: memref<128x128xf32, #tpu.memory_space<vmem>>, %arg3: memref<1x128xf32, #tpu.memory_space<vmem>>, %arg4: memref<128x64xf32, #tpu.memory_space<vmem>>, %arg5: memref<1x64xf32, #tpu.memory_space<vmem>>, %arg6: memref<64x128xf32, #tpu.memory_space<vmem>>, %arg7: memref<1x128xf32, #tpu.memory_space<vmem>>, %arg8: memref<128x256xf32, #tpu.memory_space<vmem>>, %arg9: memref<1x256xf32, #tpu.memory_space<vmem>>, %arg10: memref<2000x128xf32, #tpu.memory_space<vmem>>, %arg11: memref<2000x128xf32, #tpu.memory_space<vmem>>) attributes {dimension_semantics = [#tpu.dimension_semantics<arbitrary>], iteration_bounds = array<i64: 5>, scalar_prefetch = 0 : i64, scratch_operands = 0 : i64, tpu.core_type = #tpu.core_type<tc>, window_params = [{transform_indices = @transform_0, window_bounds = array<i64: 2000, 128>}, {pipeline_mode = #tpu.pipeline_mode<synchronous>, transform_indices = @transform_1, window_bounds = array<i64: 128, 128>}, {pipeline_mode = #tpu.pipeline_mode<synchronous>, transform_indices = @transform_2, window_bounds = array<i64: 1, 128>}, {pipeline_mode = #tpu.pipeline_mode<synchronous>, transform_indices = @transform_3, window_bounds = array<i64: 128, 64>}, {pipeline_mode = #tpu.pipeline_mode<synchronous>, transform_indices = @transform_4, window_bounds = array<i64: 1, 64>}, {pipeline_mode = #tpu.pipeline_mode<synchronous>, transform_indices = @transform_5, window_bounds = array<i64: 64, 128>}, {pipeline_mode = #tpu.pipeline_mode<synchronous>, transform_indices = @transform_6, window_bounds = array<i64: 1, 128>}, {pipeline_mode = #tpu.pipeline_mode<synchronous>, transform_indices = @transform_7, window_bounds = array<i64: 128, 256>}, {pipeline_mode = #tpu.pipeline_mode<synchronous>, transform_indices = @transform_8, window_bounds = array<i64: 1, 256>}, {transform_indices = @transform_9, window_bounds = array<i64: 2000, 128>}, {transform_indices = @transform_10, window_bounds = array<i64: 2000, 128>}]} {
    %get3A = arith.constant 0 : index
    %get3A_0 = arith.constant 0 : index
    %get3A_1 = vector.load %arg1[%get3A, %get3A_0] : memref<2000x128xf32, #tpu.memory_space<vmem>>, vector<2000x128xf32>
    %get3A_2 = arith.constant 0 : index
    %get3A_3 = arith.constant 0 : index
    %get3A_4 = vector.load %arg2[%get3A_2, %get3A_3] : memref<128x128xf32, #tpu.memory_space<vmem>>, vector<128x128xf32>
    %dot_general3A = arith.constant dense<0.000000e+00> : vector<2000x128xf32>
    %dot_general3A_5 = tpu.matmul %get3A_1, %get3A_4, %dot_general3A {dimension_numbers = #tpu.dot_dimension_numbers<[1], [0], [0], [1], [0, 0, 1, 1], [], []>, transpose_lhs_hint = false} : vector<2000x128xf32>, vector<128x128xf32>, vector<2000x128xf32> -> vector<2000x128xf32>
    %get3A_6 = arith.constant 0 : index
    %get3A_7 = arith.constant 0 : index
    %get3A_8 = vector.load %arg3[%get3A_6, %get3A_7] : memref<1x128xf32, #tpu.memory_space<vmem>>, vector<1x128xf32>
    %add3A = vector.broadcast %get3A_8 : vector<1x128xf32> to vector<2000x128xf32>
    %add3A_9 = arith.addf %dot_general3A_5, %add3A : vector<2000x128xf32>
    %max3A = arith.constant 0.000000e+00 : f32
    %max3A_10 = vector.broadcast %max3A : f32 to vector<2000x128xf32>
    %max3A_11 = arith.maximumf %add3A_9, %max3A_10 : vector<2000x128xf32>
    %get3A_12 = arith.constant 0 : index
    %get3A_13 = arith.constant 0 : index
    %get3A_14 = vector.load %arg4[%get3A_12, %get3A_13] : memref<128x64xf32, #tpu.memory_space<vmem>>, vector<128x64xf32>
    %dot_general3A_15 = arith.constant dense<0.000000e+00> : vector<2000x64xf32>
    %dot_general3A_16 = tpu.matmul %max3A_11, %get3A_14, %dot_general3A_15 {dimension_numbers = #tpu.dot_dimension_numbers<[1], [0], [0], [1], [0, 0, 1, 1], [], []>, transpose_lhs_hint = false} : vector<2000x128xf32>, vector<128x64xf32>, vector<2000x64xf32> -> vector<2000x64xf32>
    %get3A_17 = arith.constant 0 : index
    %get3A_18 = arith.constant 0 : index
    %get3A_19 = vector.load %arg5[%get3A_17, %get3A_18] : memref<1x64xf32, #tpu.memory_space<vmem>>, vector<1x64xf32>
    %add3A_20 = vector.broadcast %get3A_19 : vector<1x64xf32> to vector<2000x64xf32>
    %add3A_21 = arith.addf %dot_general3A_16, %add3A_20 : vector<2000x64xf32>
    %max3A_22 = arith.constant 0.000000e+00 : f32
    %max3A_23 = vector.broadcast %max3A_22 : f32 to vector<2000x64xf32>
    %max3A_24 = arith.maximumf %add3A_21, %max3A_23 : vector<2000x64xf32>
    %get3A_25 = arith.constant 0 : index
    %get3A_26 = arith.constant 0 : index
    %get3A_27 = vector.load %arg6[%get3A_25, %get3A_26] : memref<64x128xf32, #tpu.memory_space<vmem>>, vector<64x128xf32>
    %dot_general3A_28 = arith.constant dense<0.000000e+00> : vector<2000x128xf32>
    %dot_general3A_29 = tpu.matmul %max3A_24, %get3A_27, %dot_general3A_28 {dimension_numbers = #tpu.dot_dimension_numbers<[1], [0], [0], [1], [0, 0, 1, 1], [], []>, transpose_lhs_hint = false} : vector<2000x64xf32>, vector<64x128xf32>, vector<2000x128xf32> -> vector<2000x128xf32>
    %get3A_30 = arith.constant 0 : index
    %get3A_31 = arith.constant 0 : index
    %get3A_32 = vector.load %arg7[%get3A_30, %get3A_31] : memref<1x128xf32, #tpu.memory_space<vmem>>, vector<1x128xf32>
    %add3A_33 = vector.broadcast %get3A_32 : vector<1x128xf32> to vector<2000x128xf32>
    %add3A_34 = arith.addf %dot_general3A_29, %add3A_33 : vector<2000x128xf32>
    %get3A_35 = arith.constant 0 : index
    %get3A_36 = arith.constant 0 : index
    %get3A_37 = vector.load %arg8[%get3A_35, %get3A_36] : memref<128x256xf32, #tpu.memory_space<vmem>>, vector<128x256xf32>
    %dot_general3A_38 = arith.constant dense<0.000000e+00> : vector<2000x256xf32>
    %dot_general3A_39 = tpu.matmul %add3A_34, %get3A_37, %dot_general3A_38 {dimension_numbers = #tpu.dot_dimension_numbers<[1], [0], [0], [1], [0, 0, 1, 1], [], []>, transpose_lhs_hint = false} : vector<2000x128xf32>, vector<128x256xf32>, vector<2000x256xf32> -> vector<2000x256xf32>
    %get3A_40 = arith.constant 0 : index
    %get3A_41 = arith.constant 0 : index
    %get3A_42 = vector.load %arg9[%get3A_40, %get3A_41] : memref<1x256xf32, #tpu.memory_space<vmem>>, vector<1x256xf32>
    %add3A_43 = vector.broadcast %get3A_42 : vector<1x256xf32> to vector<2000x256xf32>
    %add3A_44 = arith.addf %dot_general3A_39, %add3A_43 : vector<2000x256xf32>
    %slice3A = vector.extract_strided_slice %add3A_44 {offsets = [0, 0], sizes = [2000, 128], strides = [1, 1]} : vector<2000x256xf32> to vector<2000x128xf32>
    %swap3A = arith.constant 0 : index
    %swap3A_45 = arith.constant 0 : index
    %swap3A_46 = vector.load %arg10[%swap3A, %swap3A_45] : memref<2000x128xf32, #tpu.memory_space<vmem>>, vector<2000x128xf32>
    tpu.vector_store %arg10[%swap3A, %swap3A_45], %slice3A {strides = array<i32>} : memref<2000x128xf32, #tpu.memory_space<vmem>>, vector<2000x128xf32>,
    %slice3A_47 = vector.extract_strided_slice %add3A_44 {offsets = [0, 128], sizes = [2000, 128], strides = [1, 1]} : vector<2000x256xf32> to vector<2000x128xf32>
    %swap3A_48 = arith.constant 0 : index
    %swap3A_49 = arith.constant 0 : index
    %swap3A_50 = vector.load %arg11[%swap3A_48, %swap3A_49] : memref<2000x128xf32, #tpu.memory_space<vmem>>, vector<2000x128xf32>
    tpu.vector_store %arg11[%swap3A_48, %swap3A_49], %slice3A_47 {strides = array<i32>} : memref<2000x128xf32, #tpu.memory_space<vmem>>, vector<2000x128xf32>,
    return
  }
  func.func @transform_0(%arg0: i32) -> (i32, i32) {
    %c0_i32 = arith.constant 0 : i32
    %c0_i32_0 = arith.constant 0 : i32
    return %arg0, %c0_i32 : i32, i32
  }
  func.func @transform_1(%arg0: i32) -> (i32, i32) {
    %c0_i32 = arith.constant 0 : i32
    %c0_i32_0 = arith.constant 0 : i32
    %c0_i32_1 = arith.constant 0 : i32
    return %c0_i32, %c0_i32_0 : i32, i32
  }
  func.func @transform_2(%arg0: i32) -> (i32, i32) {
    %c0_i32 = arith.constant 0 : i32
    %c0_i32_0 = arith.constant 0 : i32
    %c0_i32_1 = arith.constant 0 : i32
    return %c0_i32, %c0_i32_0 : i32, i32
  }
  func.func @transform_3(%arg0: i32) -> (i32, i32) {
    %c0_i32 = arith.constant 0 : i32
    %c0_i32_0 = arith.constant 0 : i32
    %c0_i32_1 = arith.constant 0 : i32
    return %c0_i32, %c0_i32_0 : i32, i32
  }
  func.func @transform_4(%arg0: i32) -> (i32, i32) {
    %c0_i32 = arith.constant 0 : i32
    %c0_i32_0 = arith.constant 0 : i32
    %c0_i32_1 = arith.constant 0 : i32
    return %c0_i32, %c0_i32_0 : i32, i32
  }
  func.func @transform_5(%arg0: i32) -> (i32, i32) {
    %c0_i32 = arith.constant 0 : i32
    %c0_i32_0 = arith.constant 0 : i32
    %c0_i32_1 = arith.constant 0 : i32
    return %c0_i32, %c0_i32_0 : i32, i32
  }
  func.func @transform_6(%arg0: i32) -> (i32, i32) {
    %c0_i32 = arith.constant 0 : i32
    %c0_i32_0 = arith.constant 0 : i32
    %c0_i32_1 = arith.constant 0 : i32
    return %c0_i32, %c0_i32_0 : i32, i32
  }
  func.func @transform_7(%arg0: i32) -> (i32, i32) {
    %c0_i32 = arith.constant 0 : i32
    %c0_i32_0 = arith.constant 0 : i32
    %c0_i32_1 = arith.constant 0 : i32
    return %c0_i32, %c0_i32_0 : i32, i32
  }
  func.func @transform_8(%arg0: i32) -> (i32, i32) {
    %c0_i32 = arith.constant 0 : i32
    %c0_i32_0 = arith.constant 0 : i32
    %c0_i32_1 = arith.constant 0 : i32
    return %c0_i32, %c0_i32_0 : i32, i32
  }
  func.func @transform_9(%arg0: i32) -> (i32, i32) {
    %c0_i32 = arith.constant 0 : i32
    %c0_i32_0 = arith.constant 0 : i32
    return %arg0, %c0_i32 : i32, i32
  }
  func.func @transform_10(%arg0: i32) -> (i32, i32) {
    %c0_i32 = arith.constant 0 : i32
    %c0_i32_0 = arith.constant 0 : i32
    return %arg0, %c0_i32 : i32, i32
  }
}

module attributes {stable_mosaic.version = 14 : i64} {
  func.func @_step1_body(%arg0: i32, %arg1: memref<2000x128xf32, #tpu.memory_space<vmem>>, %arg2: memref<2000x128xf32, #tpu.memory_space<vmem>>, %arg3: memref<2000x128xf32, #tpu.memory_space<vmem>>, %arg4: memref<2000x16xf32, #tpu.memory_space<vmem>>, %arg5: memref<16x32xf32, #tpu.memory_space<vmem>>, %arg6: memref<1x32xf32, #tpu.memory_space<vmem>>, %arg7: memref<32x64xf32, #tpu.memory_space<vmem>>, %arg8: memref<1x64xf32, #tpu.memory_space<vmem>>, %arg9: memref<64x64xf32, #tpu.memory_space<vmem>>, %arg10: memref<1x64xf32, #tpu.memory_space<vmem>>, %arg11: memref<64x16xf32, #tpu.memory_space<vmem>>, %arg12: memref<1x16xf32, #tpu.memory_space<vmem>>, %arg13: memref<16x64xf32, #tpu.memory_space<vmem>>, %arg14: memref<64x16xf32, #tpu.memory_space<vmem>>, %arg15: memref<1x16xf32, #tpu.memory_space<vmem>>, %arg16: memref<16x128xf32, #tpu.memory_space<vmem>>, %arg17: memref<2000x16xf32, #tpu.memory_space<vmem>>, %arg18: memref<2000x128xf32, #tpu.memory_space<vmem>>) attributes {dimension_semantics = [#tpu.dimension_semantics<arbitrary>], iteration_bounds = array<i64: 160>, scalar_prefetch = 0 : i64, scratch_operands = 0 : i64, tpu.core_type = #tpu.core_type<tc>, window_params = [{transform_indices = @transform_0, window_bounds = array<i64: 2000, 128>}, {transform_indices = @transform_1, window_bounds = array<i64: 2000, 128>}, {transform_indices = @transform_2, window_bounds = array<i64: 2000, 128>}, {transform_indices = @transform_3, window_bounds = array<i64: 2000, 16>}, {pipeline_mode = #tpu.pipeline_mode<synchronous>, transform_indices = @transform_4, window_bounds = array<i64: 16, 32>}, {pipeline_mode = #tpu.pipeline_mode<synchronous>, transform_indices = @transform_5, window_bounds = array<i64: 1, 32>}, {pipeline_mode = #tpu.pipeline_mode<synchronous>, transform_indices = @transform_6, window_bounds = array<i64: 32, 64>}, {pipeline_mode = #tpu.pipeline_mode<synchronous>, transform_indices = @transform_7, window_bounds = array<i64: 1, 64>}, {pipeline_mode = #tpu.pipeline_mode<synchronous>, transform_indices = @transform_8, window_bounds = array<i64: 64, 64>}, {pipeline_mode = #tpu.pipeline_mode<synchronous>, transform_indices = @transform_9, window_bounds = array<i64: 1, 64>}, {pipeline_mode = #tpu.pipeline_mode<synchronous>, transform_indices = @transform_10, window_bounds = array<i64: 64, 16>}, {pipeline_mode = #tpu.pipeline_mode<synchronous>, transform_indices = @transform_11, window_bounds = array<i64: 1, 16>}, {pipeline_mode = #tpu.pipeline_mode<synchronous>, transform_indices = @transform_12, window_bounds = array<i64: 16, 64>}, {pipeline_mode = #tpu.pipeline_mode<synchronous>, transform_indices = @transform_13, window_bounds = array<i64: 64, 16>}, {pipeline_mode = #tpu.pipeline_mode<synchronous>, transform_indices = @transform_14, window_bounds = array<i64: 1, 16>}, {pipeline_mode = #tpu.pipeline_mode<synchronous>, transform_indices = @transform_15, window_bounds = array<i64: 16, 128>}, {transform_indices = @transform_16, window_bounds = array<i64: 2000, 16>}, {transform_indices = @transform_17, window_bounds = array<i64: 2000, 128>}]} {
    %get3A = arith.constant 0 : index
    %get3A_0 = arith.constant 0 : index
    %get3A_1 = vector.load %arg4[%get3A, %get3A_0] : memref<2000x16xf32, #tpu.memory_space<vmem>>, vector<2000x16xf32>
    %get3A_2 = arith.constant 0 : index
    %get3A_3 = arith.constant 0 : index
    %get3A_4 = vector.load %arg5[%get3A_2, %get3A_3] : memref<16x32xf32, #tpu.memory_space<vmem>>, vector<16x32xf32>
    %dot_general3A = arith.constant dense<0.000000e+00> : vector<2000x32xf32>
    %dot_general3A_5 = tpu.matmul %get3A_1, %get3A_4, %dot_general3A {dimension_numbers = #tpu.dot_dimension_numbers<[1], [0], [0], [1], [0, 0, 1, 1], [], []>, transpose_lhs_hint = false} : vector<2000x16xf32>, vector<16x32xf32>, vector<2000x32xf32> -> vector<2000x32xf32>
    %get3A_6 = arith.constant 0 : index
    %get3A_7 = arith.constant 0 : index
    %get3A_8 = vector.load %arg6[%get3A_6, %get3A_7] : memref<1x32xf32, #tpu.memory_space<vmem>>, vector<1x32xf32>
    %add3A = vector.broadcast %get3A_8 : vector<1x32xf32> to vector<2000x32xf32>
    %add3A_9 = arith.addf %dot_general3A_5, %add3A : vector<2000x32xf32>
    %max3A = arith.constant 0.000000e+00 : f32
    %max3A_10 = vector.broadcast %max3A : f32 to vector<2000x32xf32>
    %max3A_11 = arith.maximumf %add3A_9, %max3A_10 : vector<2000x32xf32>
    %get3A_12 = arith.constant 0 : index
    %get3A_13 = arith.constant 0 : index
    %get3A_14 = vector.load %arg7[%get3A_12, %get3A_13] : memref<32x64xf32, #tpu.memory_space<vmem>>, vector<32x64xf32>
    %dot_general3A_15 = arith.constant dense<0.000000e+00> : vector<2000x64xf32>
    %dot_general3A_16 = tpu.matmul %max3A_11, %get3A_14, %dot_general3A_15 {dimension_numbers = #tpu.dot_dimension_numbers<[1], [0], [0], [1], [0, 0, 1, 1], [], []>, transpose_lhs_hint = false} : vector<2000x32xf32>, vector<32x64xf32>, vector<2000x64xf32> -> vector<2000x64xf32>
    %get3A_17 = arith.constant 0 : index
    %get3A_18 = arith.constant 0 : index
    %get3A_19 = vector.load %arg8[%get3A_17, %get3A_18] : memref<1x64xf32, #tpu.memory_space<vmem>>, vector<1x64xf32>
    %add3A_20 = vector.broadcast %get3A_19 : vector<1x64xf32> to vector<2000x64xf32>
    %add3A_21 = arith.addf %dot_general3A_16, %add3A_20 : vector<2000x64xf32>
    %max3A_22 = arith.constant 0.000000e+00 : f32
    %max3A_23 = vector.broadcast %max3A_22 : f32 to vector<2000x64xf32>
    %max3A_24 = arith.maximumf %add3A_21, %max3A_23 : vector<2000x64xf32>
    %get3A_25 = arith.constant 0 : index
    %get3A_26 = arith.constant 0 : index
    %get3A_27 = vector.load %arg9[%get3A_25, %get3A_26] : memref<64x64xf32, #tpu.memory_space<vmem>>, vector<64x64xf32>
    %dot_general3A_28 = arith.constant dense<0.000000e+00> : vector<2000x64xf32>
    %dot_general3A_29 = tpu.matmul %max3A_24, %get3A_27, %dot_general3A_28 {dimension_numbers = #tpu.dot_dimension_numbers<[1], [0], [0], [1], [0, 0, 1, 1], [], []>, transpose_lhs_hint = false} : vector<2000x64xf32>, vector<64x64xf32>, vector<2000x64xf32> -> vector<2000x64xf32>
    %get3A_30 = arith.constant 0 : index
    %get3A_31 = arith.constant 0 : index
    %get3A_32 = vector.load %arg10[%get3A_30, %get3A_31] : memref<1x64xf32, #tpu.memory_space<vmem>>, vector<1x64xf32>
    %add3A_33 = vector.broadcast %get3A_32 : vector<1x64xf32> to vector<2000x64xf32>
    %add3A_34 = arith.addf %dot_general3A_29, %add3A_33 : vector<2000x64xf32>
    %max3A_35 = arith.constant 0.000000e+00 : f32
    %max3A_36 = vector.broadcast %max3A_35 : f32 to vector<2000x64xf32>
    %max3A_37 = arith.maximumf %add3A_34, %max3A_36 : vector<2000x64xf32>
    %get3A_38 = arith.constant 0 : index
    %get3A_39 = arith.constant 0 : index
    %get3A_40 = vector.load %arg11[%get3A_38, %get3A_39] : memref<64x16xf32, #tpu.memory_space<vmem>>, vector<64x16xf32>
    %dot_general3A_41 = arith.constant dense<0.000000e+00> : vector<2000x16xf32>
    %dot_general3A_42 = tpu.matmul %max3A_37, %get3A_40, %dot_general3A_41 {dimension_numbers = #tpu.dot_dimension_numbers<[1], [0], [0], [1], [0, 0, 1, 1], [], []>, transpose_lhs_hint = false} : vector<2000x64xf32>, vector<64x16xf32>, vector<2000x16xf32> -> vector<2000x16xf32>
    %get3A_43 = arith.constant 0 : index
    %get3A_44 = arith.constant 0 : index
    %get3A_45 = vector.load %arg12[%get3A_43, %get3A_44] : memref<1x16xf32, #tpu.memory_space<vmem>>, vector<1x16xf32>
    %add3A_46 = vector.broadcast %get3A_45 : vector<1x16xf32> to vector<2000x16xf32>
    %add3A_47 = arith.addf %dot_general3A_42, %add3A_46 : vector<2000x16xf32>
    %get3A_48 = arith.constant 0 : index
    %get3A_49 = arith.constant 0 : index
    %get3A_50 = vector.load %arg1[%get3A_48, %get3A_49] : memref<2000x128xf32, #tpu.memory_space<vmem>>, vector<2000x64xf32>
    %get3A_51 = arith.constant 0 : index
    %get3A_52 = arith.constant 64 : index
    %get3A_53 = vector.load %arg2[%get3A_51, %get3A_52] : memref<2000x128xf32, #tpu.memory_space<vmem>>, vector<2000x64xf32>
    %add3A_54 = arith.addf %get3A_50, %get3A_53 : vector<2000x64xf32>
    %get3A_55 = arith.constant 0 : index
    %get3A_56 = arith.constant 0 : index
    %get3A_57 = vector.load %arg13[%get3A_55, %get3A_56] : memref<16x64xf32, #tpu.memory_space<vmem>>, vector<16x64xf32>
    %dot_general3A_58 = arith.constant dense<0.000000e+00> : vector<2000x64xf32>
    %dot_general3A_59 = tpu.matmul %add3A_47, %get3A_57, %dot_general3A_58 {dimension_numbers = #tpu.dot_dimension_numbers<[1], [0], [0], [1], [0, 0, 1, 1], [], []>, transpose_lhs_hint = false} : vector<2000x16xf32>, vector<16x64xf32>, vector<2000x64xf32> -> vector<2000x64xf32>
    %add3A_60 = arith.addf %add3A_54, %dot_general3A_59 : vector<2000x64xf32>
    %max3A_61 = arith.constant 0.000000e+00 : f32
    %max3A_62 = vector.broadcast %max3A_61 : f32 to vector<2000x64xf32>
    %max3A_63 = arith.maximumf %add3A_60, %max3A_62 : vector<2000x64xf32>
    %get3A_64 = arith.constant 0 : index
    %get3A_65 = arith.constant 0 : index
    %get3A_66 = vector.load %arg14[%get3A_64, %get3A_65] : memref<64x16xf32, #tpu.memory_space<vmem>>, vector<64x16xf32>
    %dot_general3A_67 = arith.constant dense<0.000000e+00> : vector<2000x16xf32>
    %dot_general3A_68 = tpu.matmul %max3A_63, %get3A_66, %dot_general3A_67 {dimension_numbers = #tpu.dot_dimension_numbers<[1], [0], [0], [1], [0, 0, 1, 1], [], []>, transpose_lhs_hint = false} : vector<2000x64xf32>, vector<64x16xf32>, vector<2000x16xf32> -> vector<2000x16xf32>
    %get3A_69 = arith.constant 0 : index
    %get3A_70 = arith.constant 0 : index
    %get3A_71 = vector.load %arg15[%get3A_69, %get3A_70] : memref<1x16xf32, #tpu.memory_space<vmem>>, vector<1x16xf32>
    %add3A_72 = vector.broadcast %get3A_71 : vector<1x16xf32> to vector<2000x16xf32>
    %add3A_73 = arith.addf %dot_general3A_68, %add3A_72 : vector<2000x16xf32>
    %max3A_74 = arith.constant 0.000000e+00 : f32
    %max3A_75 = vector.broadcast %max3A_74 : f32 to vector<2000x16xf32>
    %max3A_76 = arith.maximumf %add3A_73, %max3A_75 : vector<2000x16xf32>
    %swap3A = arith.constant 0 : index
    %swap3A_77 = arith.constant 0 : index
    %swap3A_78 = vector.load %arg17[%swap3A, %swap3A_77] : memref<2000x16xf32, #tpu.memory_space<vmem>>, vector<2000x16xf32>
    tpu.vector_store %arg17[%swap3A, %swap3A_77], %max3A_76 {strides = array<i32>} : memref<2000x16xf32, #tpu.memory_space<vmem>>, vector<2000x16xf32>,
    %get3A_79 = arith.constant 0 : index
    %get3A_80 = arith.constant 0 : index
    %get3A_81 = vector.load %arg3[%get3A_79, %get3A_80] : memref<2000x128xf32, #tpu.memory_space<vmem>>, vector<2000x128xf32>
    %get3A_82 = arith.constant 0 : index
    %get3A_83 = arith.constant 0 : index
    %get3A_84 = vector.load %arg16[%get3A_82, %get3A_83] : memref<16x128xf32, #tpu.memory_space<vmem>>, vector<16x128xf32>
    %dot_general3A_85 = arith.constant dense<0.000000e+00> : vector<2000x128xf32>
    %dot_general3A_86 = tpu.matmul %max3A_76, %get3A_84, %dot_general3A_85 {dimension_numbers = #tpu.dot_dimension_numbers<[1], [0], [0], [1], [0, 0, 1, 1], [], []>, transpose_lhs_hint = false} : vector<2000x16xf32>, vector<16x128xf32>, vector<2000x128xf32> -> vector<2000x128xf32>
    %add3A_87 = arith.addf %get3A_81, %dot_general3A_86 : vector<2000x128xf32>
    %max3A_88 = arith.constant 0.000000e+00 : f32
    %max3A_89 = vector.broadcast %max3A_88 : f32 to vector<2000x128xf32>
    %max3A_90 = arith.maximumf %add3A_87, %max3A_89 : vector<2000x128xf32>
    %swap3A_91 = arith.constant 0 : index
    %swap3A_92 = arith.constant 0 : index
    %swap3A_93 = vector.load %arg18[%swap3A_91, %swap3A_92] : memref<2000x128xf32, #tpu.memory_space<vmem>>, vector<2000x128xf32>
    tpu.vector_store %arg18[%swap3A_91, %swap3A_92], %max3A_90 {strides = array<i32>} : memref<2000x128xf32, #tpu.memory_space<vmem>>, vector<2000x128xf32>,
    return
  }
  func.func @transform_0(%arg0: i32) -> (i32, i32) {
    %c0_i32 = arith.constant 0 : i32
    %c0_i32_0 = arith.constant 0 : i32
    return %arg0, %c0_i32 : i32, i32
  }
  func.func @transform_1(%arg0: i32) -> (i32, i32) {
    %c0_i32 = arith.constant 0 : i32
    %c0_i32_0 = arith.constant 0 : i32
    return %arg0, %c0_i32 : i32, i32
  }
  func.func @transform_2(%arg0: i32) -> (i32, i32) {
    %c0_i32 = arith.constant 0 : i32
    %c0_i32_0 = arith.constant 0 : i32
    return %arg0, %c0_i32 : i32, i32
  }
  func.func @transform_3(%arg0: i32) -> (i32, i32) {
    %c0_i32 = arith.constant 0 : i32
    %c0_i32_0 = arith.constant 0 : i32
    return %arg0, %c0_i32 : i32, i32
  }
  func.func @transform_4(%arg0: i32) -> (i32, i32) {
    %c0_i32 = arith.constant 0 : i32
    %c0_i32_0 = arith.constant 0 : i32
    %c0_i32_1 = arith.constant 0 : i32
    return %c0_i32, %c0_i32_0 : i32, i32
  }
  func.func @transform_5(%arg0: i32) -> (i32, i32) {
    %c0_i32 = arith.constant 0 : i32
    %c0_i32_0 = arith.constant 0 : i32
    %c0_i32_1 = arith.constant 0 : i32
    return %c0_i32, %c0_i32_0 : i32, i32
  }
  func.func @transform_6(%arg0: i32) -> (i32, i32) {
    %c0_i32 = arith.constant 0 : i32
    %c0_i32_0 = arith.constant 0 : i32
    %c0_i32_1 = arith.constant 0 : i32
    return %c0_i32, %c0_i32_0 : i32, i32
  }
  func.func @transform_7(%arg0: i32) -> (i32, i32) {
    %c0_i32 = arith.constant 0 : i32
    %c0_i32_0 = arith.constant 0 : i32
    %c0_i32_1 = arith.constant 0 : i32
    return %c0_i32, %c0_i32_0 : i32, i32
  }
  func.func @transform_8(%arg0: i32) -> (i32, i32) {
    %c0_i32 = arith.constant 0 : i32
    %c0_i32_0 = arith.constant 0 : i32
    %c0_i32_1 = arith.constant 0 : i32
    return %c0_i32, %c0_i32_0 : i32, i32
  }
  func.func @transform_9(%arg0: i32) -> (i32, i32) {
    %c0_i32 = arith.constant 0 : i32
    %c0_i32_0 = arith.constant 0 : i32
    %c0_i32_1 = arith.constant 0 : i32
    return %c0_i32, %c0_i32_0 : i32, i32
  }
  func.func @transform_10(%arg0: i32) -> (i32, i32) {
    %c0_i32 = arith.constant 0 : i32
    %c0_i32_0 = arith.constant 0 : i32
    %c0_i32_1 = arith.constant 0 : i32
    return %c0_i32, %c0_i32_0 : i32, i32
  }
  func.func @transform_11(%arg0: i32) -> (i32, i32) {
    %c0_i32 = arith.constant 0 : i32
    %c0_i32_0 = arith.constant 0 : i32
    %c0_i32_1 = arith.constant 0 : i32
    return %c0_i32, %c0_i32_0 : i32, i32
  }
  func.func @transform_12(%arg0: i32) -> (i32, i32) {
    %c0_i32 = arith.constant 0 : i32
    %c0_i32_0 = arith.constant 0 : i32
    %c0_i32_1 = arith.constant 0 : i32
    return %c0_i32, %c0_i32_0 : i32, i32
  }
  func.func @transform_13(%arg0: i32) -> (i32, i32) {
    %c0_i32 = arith.constant 0 : i32
    %c0_i32_0 = arith.constant 0 : i32
    %c0_i32_1 = arith.constant 0 : i32
    return %c0_i32, %c0_i32_0 : i32, i32
  }
  func.func @transform_14(%arg0: i32) -> (i32, i32) {
    %c0_i32 = arith.constant 0 : i32
    %c0_i32_0 = arith.constant 0 : i32
    %c0_i32_1 = arith.constant 0 : i32
    return %c0_i32, %c0_i32_0 : i32, i32
  }
  func.func @transform_15(%arg0: i32) -> (i32, i32) {
    %c0_i32 = arith.constant 0 : i32
    %c0_i32_0 = arith.constant 0 : i32
    %c0_i32_1 = arith.constant 0 : i32
    return %c0_i32, %c0_i32_0 : i32, i32
  }
  func.func @transform_16(%arg0: i32) -> (i32, i32) {
    %c0_i32 = arith.constant 0 : i32
    %c0_i32_0 = arith.constant 0 : i32
    return %arg0, %c0_i32 : i32, i32
  }
  func.func @transform_17(%arg0: i32) -> (i32, i32) {
    %c0_i32 = arith.constant 0 : i32
    %c0_i32_0 = arith.constant 0 : i32
    return %arg0, %c0_i32 : i32, i32
  }
}

module attributes {stable_mosaic.version = 14 : i64} {
  func.func @_proj_body(%arg0: i32, %arg1: memref<2x2000x128xf32, #tpu.memory_space<vmem>>, %arg2: memref<128x128xf32, #tpu.memory_space<vmem>>, %arg3: memref<1x128xf32, #tpu.memory_space<vmem>>, %arg4: memref<2000x128xf32, #tpu.memory_space<vmem>>) attributes {dimension_semantics = [#tpu.dimension_semantics<arbitrary>], iteration_bounds = array<i64: 5>, scalar_prefetch = 0 : i64, scratch_operands = 0 : i64, tpu.core_type = #tpu.core_type<tc>, window_params = [{transform_indices = @transform_0, window_bounds = array<i64: 2, 2000, 128>}, {pipeline_mode = #tpu.pipeline_mode<synchronous>, transform_indices = @transform_1, window_bounds = array<i64: 128, 128>}, {pipeline_mode = #tpu.pipeline_mode<synchronous>, transform_indices = @transform_2, window_bounds = array<i64: 1, 128>}, {transform_indices = @transform_3, window_bounds = array<i64: 2000, 128>}]} {
    %get3A = arith.constant 0 : index
    %get3A_0 = arith.constant 0 : index
    %get3A_1 = arith.constant 0 : index
    %get3A_2 = vector.load %arg1[%get3A, %get3A_0, %get3A_1] : memref<2x2000x128xf32, #tpu.memory_space<vmem>>, vector<1x2000x128xf32>
    %get3A_3 = vector.shape_cast %get3A_2 : vector<1x2000x128xf32> to vector<2000x128xf32>
    %get3A_4 = arith.constant 1 : index
    %get3A_5 = arith.constant 0 : index
    %get3A_6 = arith.constant 0 : index
    %get3A_7 = vector.load %arg1[%get3A_4, %get3A_5, %get3A_6] : memref<2x2000x128xf32, #tpu.memory_space<vmem>>, vector<1x2000x128xf32>
    %get3A_8 = vector.shape_cast %get3A_7 : vector<1x2000x128xf32> to vector<2000x128xf32>
    %add3A = arith.addf %get3A_3, %get3A_8 : vector<2000x128xf32>
    %get3A_9 = arith.constant 0 : index
    %get3A_10 = arith.constant 0 : index
    %get3A_11 = vector.load %arg2[%get3A_9, %get3A_10] : memref<128x128xf32, #tpu.memory_space<vmem>>, vector<128x128xf32>
    %dot_general3A = arith.constant dense<0.000000e+00> : vector<2000x128xf32>
    %dot_general3A_12 = tpu.matmul %add3A, %get3A_11, %dot_general3A {dimension_numbers = #tpu.dot_dimension_numbers<[1], [0], [0], [1], [0, 0, 1, 1], [], []>, transpose_lhs_hint = false} : vector<2000x128xf32>, vector<128x128xf32>, vector<2000x128xf32> -> vector<2000x128xf32>
    %get3A_13 = arith.constant 0 : index
    %get3A_14 = arith.constant 0 : index
    %get3A_15 = vector.load %arg3[%get3A_13, %get3A_14] : memref<1x128xf32, #tpu.memory_space<vmem>>, vector<1x128xf32>
    %add3A_16 = vector.broadcast %get3A_15 : vector<1x128xf32> to vector<2000x128xf32>
    %add3A_17 = arith.addf %dot_general3A_12, %add3A_16 : vector<2000x128xf32>
    %swap3A = arith.constant 0 : index
    %swap3A_18 = arith.constant 0 : index
    %swap3A_19 = vector.load %arg4[%swap3A, %swap3A_18] : memref<2000x128xf32, #tpu.memory_space<vmem>>, vector<2000x128xf32>
    tpu.vector_store %arg4[%swap3A, %swap3A_18], %add3A_17 {strides = array<i32>} : memref<2000x128xf32, #tpu.memory_space<vmem>>, vector<2000x128xf32>,
    return
  }
  func.func @transform_0(%arg0: i32) -> (i32, i32, i32) {
    %c0_i32 = arith.constant 0 : i32
    %c0_i32_0 = arith.constant 0 : i32
    %c0_i32_1 = arith.constant 0 : i32
    return %c0_i32, %arg0, %c0_i32_0 : i32, i32, i32
  }
  func.func @transform_1(%arg0: i32) -> (i32, i32) {
    %c0_i32 = arith.constant 0 : i32
    %c0_i32_0 = arith.constant 0 : i32
    %c0_i32_1 = arith.constant 0 : i32
    return %c0_i32, %c0_i32_0 : i32, i32
  }
  func.func @transform_2(%arg0: i32) -> (i32, i32) {
    %c0_i32 = arith.constant 0 : i32
    %c0_i32_0 = arith.constant 0 : i32
    %c0_i32_1 = arith.constant 0 : i32
    return %c0_i32, %c0_i32_0 : i32, i32
  }
  func.func @transform_3(%arg0: i32) -> (i32, i32) {
    %c0_i32 = arith.constant 0 : i32
    %c0_i32_0 = arith.constant 0 : i32
    return %arg0, %c0_i32 : i32, i32
  }
}

module attributes {stable_mosaic.version = 14 : i64} {
  func.func @_step2_head_body(%arg0: i32, %arg1: memref<2000x128xf32, #tpu.memory_space<vmem>>, %arg2: memref<2000x128xf32, #tpu.memory_space<vmem>>, %arg3: memref<2000x16xf32, #tpu.memory_space<vmem>>, %arg4: memref<16x64xf32, #tpu.memory_space<vmem>>, %arg5: memref<64x16xf32, #tpu.memory_space<vmem>>, %arg6: memref<1x16xf32, #tpu.memory_space<vmem>>, %arg7: memref<16x64xf32, #tpu.memory_space<vmem>>, %arg8: memref<1x64xf32, #tpu.memory_space<vmem>>, %arg9: memref<64x32xf32, #tpu.memory_space<vmem>>, %arg10: memref<1x32xf32, #tpu.memory_space<vmem>>, %arg11: memref<32x1xf32, #tpu.memory_space<vmem>>, %arg12: memref<1x1xf32, #tpu.memory_space<vmem>>, %arg13: memref<2000x1xf32, #tpu.memory_space<vmem>>) attributes {dimension_semantics = [#tpu.dimension_semantics<arbitrary>], iteration_bounds = array<i64: 160>, scalar_prefetch = 0 : i64, scratch_operands = 0 : i64, tpu.core_type = #tpu.core_type<tc>, window_params = [{transform_indices = @transform_0, window_bounds = array<i64: 2000, 128>}, {transform_indices = @transform_1, window_bounds = array<i64: 2000, 128>}, {transform_indices = @transform_2, window_bounds = array<i64: 2000, 16>}, {pipeline_mode = #tpu.pipeline_mode<synchronous>, transform_indices = @transform_3, window_bounds = array<i64: 16, 64>}, {pipeline_mode = #tpu.pipeline_mode<synchronous>, transform_indices = @transform_4, window_bounds = array<i64: 64, 16>}, {pipeline_mode = #tpu.pipeline_mode<synchronous>, transform_indices = @transform_5, window_bounds = array<i64: 1, 16>}, {pipeline_mode = #tpu.pipeline_mode<synchronous>, transform_indices = @transform_6, window_bounds = array<i64: 16, 64>}, {pipeline_mode = #tpu.pipeline_mode<synchronous>, transform_indices = @transform_7, window_bounds = array<i64: 1, 64>}, {pipeline_mode = #tpu.pipeline_mode<synchronous>, transform_indices = @transform_8, window_bounds = array<i64: 64, 32>}, {pipeline_mode = #tpu.pipeline_mode<synchronous>, transform_indices = @transform_9, window_bounds = array<i64: 1, 32>}, {pipeline_mode = #tpu.pipeline_mode<synchronous>, transform_indices = @transform_10, window_bounds = array<i64: 32, 1>}, {pipeline_mode = #tpu.pipeline_mode<synchronous>, transform_indices = @transform_11, window_bounds = array<i64: 1, 1>}, {transform_indices = @transform_12, window_bounds = array<i64: 2000, 1>}]} {
    %get3A = arith.constant 0 : index
    %get3A_0 = arith.constant 0 : index
    %get3A_1 = vector.load %arg1[%get3A, %get3A_0] : memref<2000x128xf32, #tpu.memory_space<vmem>>, vector<2000x64xf32>
    %get3A_2 = arith.constant 0 : index
    %get3A_3 = arith.constant 64 : index
    %get3A_4 = vector.load %arg2[%get3A_2, %get3A_3] : memref<2000x128xf32, #tpu.memory_space<vmem>>, vector<2000x64xf32>
    %add3A = arith.addf %get3A_1, %get3A_4 : vector<2000x64xf32>
    %get3A_5 = arith.constant 0 : index
    %get3A_6 = arith.constant 0 : index
    %get3A_7 = vector.load %arg3[%get3A_5, %get3A_6] : memref<2000x16xf32, #tpu.memory_space<vmem>>, vector<2000x16xf32>
    %get3A_8 = arith.constant 0 : index
    %get3A_9 = arith.constant 0 : index
    %get3A_10 = vector.load %arg4[%get3A_8, %get3A_9] : memref<16x64xf32, #tpu.memory_space<vmem>>, vector<16x64xf32>
    %dot_general3A = arith.constant dense<0.000000e+00> : vector<2000x64xf32>
    %dot_general3A_11 = tpu.matmul %get3A_7, %get3A_10, %dot_general3A {dimension_numbers = #tpu.dot_dimension_numbers<[1], [0], [0], [1], [0, 0, 1, 1], [], []>, transpose_lhs_hint = false} : vector<2000x16xf32>, vector<16x64xf32>, vector<2000x64xf32> -> vector<2000x64xf32>
    %add3A_12 = arith.addf %add3A, %dot_general3A_11 : vector<2000x64xf32>
    %max3A = arith.constant 0.000000e+00 : f32
    %max3A_13 = vector.broadcast %max3A : f32 to vector<2000x64xf32>
    %max3A_14 = arith.maximumf %add3A_12, %max3A_13 : vector<2000x64xf32>
    %get3A_15 = arith.constant 0 : index
    %get3A_16 = arith.constant 0 : index
    %get3A_17 = vector.load %arg5[%get3A_15, %get3A_16] : memref<64x16xf32, #tpu.memory_space<vmem>>, vector<64x16xf32>
    %dot_general3A_18 = arith.constant dense<0.000000e+00> : vector<2000x16xf32>
    %dot_general3A_19 = tpu.matmul %max3A_14, %get3A_17, %dot_general3A_18 {dimension_numbers = #tpu.dot_dimension_numbers<[1], [0], [0], [1], [0, 0, 1, 1], [], []>, transpose_lhs_hint = false} : vector<2000x64xf32>, vector<64x16xf32>, vector<2000x16xf32> -> vector<2000x16xf32>
    %get3A_20 = arith.constant 0 : index
    %get3A_21 = arith.constant 0 : index
    %get3A_22 = vector.load %arg6[%get3A_20, %get3A_21] : memref<1x16xf32, #tpu.memory_space<vmem>>, vector<1x16xf32>
    %add3A_23 = vector.broadcast %get3A_22 : vector<1x16xf32> to vector<2000x16xf32>
    %add3A_24 = arith.addf %dot_general3A_19, %add3A_23 : vector<2000x16xf32>
    %max3A_25 = arith.constant 0.000000e+00 : f32
    %max3A_26 = vector.broadcast %max3A_25 : f32 to vector<2000x16xf32>
    %max3A_27 = arith.maximumf %add3A_24, %max3A_26 : vector<2000x16xf32>
    %get3A_28 = arith.constant 0 : index
    %get3A_29 = arith.constant 0 : index
    %get3A_30 = vector.load %arg7[%get3A_28, %get3A_29] : memref<16x64xf32, #tpu.memory_space<vmem>>, vector<16x64xf32>
    %dot_general3A_31 = arith.constant dense<0.000000e+00> : vector<2000x64xf32>
    %dot_general3A_32 = tpu.matmul %max3A_27, %get3A_30, %dot_general3A_31 {dimension_numbers = #tpu.dot_dimension_numbers<[1], [0], [0], [1], [0, 0, 1, 1], [], []>, transpose_lhs_hint = false} : vector<2000x16xf32>, vector<16x64xf32>, vector<2000x64xf32> -> vector<2000x64xf32>
    %get3A_33 = arith.constant 0 : index
    %get3A_34 = arith.constant 0 : index
    %get3A_35 = vector.load %arg8[%get3A_33, %get3A_34] : memref<1x64xf32, #tpu.memory_space<vmem>>, vector<1x64xf32>
    %add3A_36 = vector.broadcast %get3A_35 : vector<1x64xf32> to vector<2000x64xf32>
    %add3A_37 = arith.addf %dot_general3A_32, %add3A_36 : vector<2000x64xf32>
    %max3A_38 = arith.constant 0.000000e+00 : f32
    %max3A_39 = vector.broadcast %max3A_38 : f32 to vector<2000x64xf32>
    %max3A_40 = arith.maximumf %add3A_37, %max3A_39 : vector<2000x64xf32>
    %get3A_41 = arith.constant 0 : index
    %get3A_42 = arith.constant 0 : index
    %get3A_43 = vector.load %arg9[%get3A_41, %get3A_42] : memref<64x32xf32, #tpu.memory_space<vmem>>, vector<64x32xf32>
    %dot_general3A_44 = arith.constant dense<0.000000e+00> : vector<2000x32xf32>
    %dot_general3A_45 = tpu.matmul %max3A_40, %get3A_43, %dot_general3A_44 {dimension_numbers = #tpu.dot_dimension_numbers<[1], [0], [0], [1], [0, 0, 1, 1], [], []>, transpose_lhs_hint = false} : vector<2000x64xf32>, vector<64x32xf32>, vector<2000x32xf32> -> vector<2000x32xf32>
    %get3A_46 = arith.constant 0 : index
    %get3A_47 = arith.constant 0 : index
    %get3A_48 = vector.load %arg10[%get3A_46, %get3A_47] : memref<1x32xf32, #tpu.memory_space<vmem>>, vector<1x32xf32>
    %add3A_49 = vector.broadcast %get3A_48 : vector<1x32xf32> to vector<2000x32xf32>
    %add3A_50 = arith.addf %dot_general3A_45, %add3A_49 : vector<2000x32xf32>
    %max3A_51 = arith.constant 0.000000e+00 : f32
    %max3A_52 = vector.broadcast %max3A_51 : f32 to vector<2000x32xf32>
    %max3A_53 = arith.maximumf %add3A_50, %max3A_52 : vector<2000x32xf32>
    %get3A_54 = arith.constant 0 : index
    %get3A_55 = arith.constant 0 : index
    %get3A_56 = vector.load %arg11[%get3A_54, %get3A_55] : memref<32x1xf32, #tpu.memory_space<vmem>>, vector<32x1xf32>
    %dot_general3A_57 = arith.constant dense<0.000000e+00> : vector<2000x1xf32>
    %dot_general3A_58 = tpu.matmul %max3A_53, %get3A_56, %dot_general3A_57 {dimension_numbers = #tpu.dot_dimension_numbers<[1], [0], [0], [1], [0, 0, 1, 1], [], []>, transpose_lhs_hint = false} : vector<2000x32xf32>, vector<32x1xf32>, vector<2000x1xf32> -> vector<2000x1xf32>
    %get3A_59 = arith.constant 0 : index
    %get3A_60 = arith.constant 0 : index
    %get3A_61 = vector.load %arg12[%get3A_59, %get3A_60] : memref<1x1xf32, #tpu.memory_space<vmem>>, vector<1x1xf32>
    %add3A_62 = vector.broadcast %get3A_61 : vector<1x1xf32> to vector<2000x1xf32>
    %add3A_63 = arith.addf %dot_general3A_58, %add3A_62 : vector<2000x1xf32>
    %swap3A = arith.constant 0 : index
    %swap3A_64 = arith.constant 0 : index
    %swap3A_65 = vector.load %arg13[%swap3A, %swap3A_64] : memref<2000x1xf32, #tpu.memory_space<vmem>>, vector<2000x1xf32>
    tpu.vector_store %arg13[%swap3A, %swap3A_64], %add3A_63 {strides = array<i32>} : memref<2000x1xf32, #tpu.memory_space<vmem>>, vector<2000x1xf32>,
    return
  }
  func.func @transform_0(%arg0: i32) -> (i32, i32) {
    %c0_i32 = arith.constant 0 : i32
    %c0_i32_0 = arith.constant 0 : i32
    return %arg0, %c0_i32 : i32, i32
  }
  func.func @transform_1(%arg0: i32) -> (i32, i32) {
    %c0_i32 = arith.constant 0 : i32
    %c0_i32_0 = arith.constant 0 : i32
    return %arg0, %c0_i32 : i32, i32
  }
  func.func @transform_2(%arg0: i32) -> (i32, i32) {
    %c0_i32 = arith.constant 0 : i32
    %c0_i32_0 = arith.constant 0 : i32
    return %arg0, %c0_i32 : i32, i32
  }
  func.func @transform_3(%arg0: i32) -> (i32, i32) {
    %c0_i32 = arith.constant 0 : i32
    %c0_i32_0 = arith.constant 0 : i32
    %c0_i32_1 = arith.constant 0 : i32
    return %c0_i32, %c0_i32_0 : i32, i32
  }
  func.func @transform_4(%arg0: i32) -> (i32, i32) {
    %c0_i32 = arith.constant 0 : i32
    %c0_i32_0 = arith.constant 0 : i32
    %c0_i32_1 = arith.constant 0 : i32
    return %c0_i32, %c0_i32_0 : i32, i32
  }
  func.func @transform_5(%arg0: i32) -> (i32, i32) {
    %c0_i32 = arith.constant 0 : i32
    %c0_i32_0 = arith.constant 0 : i32
    %c0_i32_1 = arith.constant 0 : i32
    return %c0_i32, %c0_i32_0 : i32, i32
  }
  func.func @transform_6(%arg0: i32) -> (i32, i32) {
    %c0_i32 = arith.constant 0 : i32
    %c0_i32_0 = arith.constant 0 : i32
    %c0_i32_1 = arith.constant 0 : i32
    return %c0_i32, %c0_i32_0 : i32, i32
  }
  func.func @transform_7(%arg0: i32) -> (i32, i32) {
    %c0_i32 = arith.constant 0 : i32
    %c0_i32_0 = arith.constant 0 : i32
    %c0_i32_1 = arith.constant 0 : i32
    return %c0_i32, %c0_i32_0 : i32, i32
  }
  func.func @transform_8(%arg0: i32) -> (i32, i32) {
    %c0_i32 = arith.constant 0 : i32
    %c0_i32_0 = arith.constant 0 : i32
    %c0_i32_1 = arith.constant 0 : i32
    return %c0_i32, %c0_i32_0 : i32, i32
  }
  func.func @transform_9(%arg0: i32) -> (i32, i32) {
    %c0_i32 = arith.constant 0 : i32
    %c0_i32_0 = arith.constant 0 : i32
    %c0_i32_1 = arith.constant 0 : i32
    return %c0_i32, %c0_i32_0 : i32, i32
  }
  func.func @transform_10(%arg0: i32) -> (i32, i32) {
    %c0_i32 = arith.constant 0 : i32
    %c0_i32_0 = arith.constant 0 : i32
    %c0_i32_1 = arith.constant 0 : i32
    return %c0_i32, %c0_i32_0 : i32, i32
  }
  func.func @transform_11(%arg0: i32) -> (i32, i32) {
    %c0_i32 = arith.constant 0 : i32
    %c0_i32_0 = arith.constant 0 : i32
    %c0_i32_1 = arith.constant 0 : i32
    return %c0_i32, %c0_i32_0 : i32, i32
  }
  func.func @transform_12(%arg0: i32) -> (i32, i32) {
    %c0_i32 = arith.constant 0 : i32
    %c0_i32_0 = arith.constant 0 : i32
    return %arg0, %c0_i32 : i32, i32
  }
}

</mosaic_0001>

<sc_bundles>
// kernel: kernel.12.cloned.1.call-start
scs
__scs_entry_jumppad:
0x0: {  	(pc) =	sbr.rel $0x88, $3  }
0x1: {  	(tag) =	ssettag $0x0;
	lr =	simm.s32 $0x1  }
0x2: {  	[smem:$0x3F84] =	sst lr;
	_ =	strace $0xD0000000  }
0x3: {  	_ = 	snop  }
0x4: {  	_ = 	snop  }
0x5: {  	_ = 	snop  }
0x6: {  	_ = 	snop  }
0x7: {  	_ = 	snop  }
__scs_overlays_trampoline_lowered:
0x8: {  	[smem:$0x3F93] =	sst s0  }
0x9: {  	[smem:$0x3F94] =	sst s1  }
0xa: {  	[smem:$0x3F95] =	sst s2  }
0xb: {  	[smem:$0x3F96] =	sst s3  }
0xc: {  	[smem:$0x3F97] =	sst s4  }
0xd: {  	[smem:$0x3F98] =	sst s5  }
0xe: {  	[smem:$0x3F99] =	sst s6  }
0xf: {  	[smem:$0x3F9A] =	sst s7  }
0x10: {  	[smem:$0x3F9B] =	sst s8  }
0x11: {  	[smem:$0x3F9C] =	sst s9;
	s0 =	simm.s32 @!p0 $0x0  }
0x12: {  	s1 =	sld [smem:$0x3F82];
	s0 =	simm.s32 @p0 $0x1  }
0x13: {  	[smem:$0x3F9D] =	sst s0;
	s0 =	simm.s32 @!p1 $0x0  }
0x14: {  	s2 =	sld [smem:$0x3F81];
	s0 =	simm.s32 @p1 $0x1  }
0x15: {  	[smem:$0x3F9E] =	sst s0;
	s0 =	simm.s32 @!p2 $0x0  }
0x16: {  	s3 =	sld [smem:$0x3FDB];
	s0 =	simm.s32 @p2 $0x1  }
0x17: {  	s4 =	simm.s32 $0x1BF5;
	[smem:$0x3FA0] =	sst s0  }
0x18: {  	s0 =	sld [smem:$0x3F83];
	_ =	swait.ge [sflag:s4], $0x0  }
0x19: {  	s7 =	sld [smem:$0x3F84]  }
0x1a: {  	s8 =	sadd.s32 $0xFFFFE003, lr  }
0x1b: {  	s9 =	sadd.s32 $0xFFFFFEF7, lr;
	s5 =	simm.s32 $0xFFFFFFFF;
	p2 =	slt.u32 s8, $0xFFFFF086  }
0x1c: {  	p1 =	slt.u32 s9, $0xF7A;
	s5 =	simm.s32 @!p2 $0x0  }
0x1d: {  	s5 =	simm.s32 @p1 $0x1;
	p0 =	seq.s32 s7, s2  }
0x1e: {  	s7 =	smul.u32 @!p0 $0xF7A, s2;
	p2 =	seq.s32 @!p0 s5, $0x0  }
0x1f: {  	s9 =	smul.u32 $0xF7A, s1;
	s8 =	simm.s32 @!p0 $0x1BF5;
	p2 =	por !p2, p0  }
0x20: {  	[sflag:s8] =	ssyncset.s32 @!p0 $0xFFFFF086;
	s6 =	sadd.s32 @!p0 s3, s7;
	s7 =	simm.s32 @!p0 $0x108  }
0x21: {  	s3 =	sadd.s32 s3, s9;
	s6 =	sadd.s32 @!p0 $0x88, s6;
	s7 =	simm.s32 @p2 $0x1082  }
0x22: {  	[simem:s7], [sflag:s8] =	dma.local @!p0 [hbm:s6], $0xF7A  }
0x23: {  	s9 =	sor.u32 $0xD0000000, s2;
	s6 =	simm.s32 $0x108;
	_ =	swait.ge @!p0 [sflag:s8], $0x0  }
0x24: {  	s3 =	sadd.s32 $0x88, s3;
	s6 =	simm.s32 @!p1 $0x1082;
	[sflag:s4] =	ssyncset.s32 $0xFFFFF086  }
0x25: {  	[simem:s6], [sflag:s4] =	dma.local [hbm:s3], $0xF7A  }
0x26: {  	[smem:$0x3F84] =	sst s1;
	(tag) =	ssettag s2;
	_ =	strace s9  }
0x27: {  	s1 =	sld [smem:$0x3F94]  }
0x28: {  	s2 =	sld [smem:$0x3F95]  }
0x29: {  	s4 =	sld [smem:$0x3F97]  }
0x2a: {  	p0 =	seq.s32 s5, $0x0;
	s5 =	sld [smem:$0x3F98]  }
0x2b: {  	s6 =	sld [smem:$0x3F99]  }
0x2c: {  	s7 =	sld [smem:$0x3F9A]  }
0x2d: {  	s3 =	simm.s32 $0x108;
	s8 =	sld [smem:$0x3F9B]  }
0x2e: {  	s3 =	simm.s32 @!p0 $0x1082;
	s9 =	sld [smem:$0x3F9C]  }
0x2f: {  	lr =	sadd.s32 s0, s3;
	s0 =	sld [smem:$0x3F93]  }
0x30: {  	s3 =	sld [smem:$0x3F96]  }
0x31: {  	[smem:$0x3F9F] =	sst s10  }
0x32: {  	s10 =	sld [smem:$0x3F9D];
	_ =	sdelay $0x3  }
0x33: {  	p0 =	seq.s32 s10, $0x1;
	s10 =	sld [smem:$0x3F9F];
	_ =	sdelay $0x3  }
0x34: {  	[smem:$0x3F9F] =	sst s10  }
0x35: {  	s10 =	sld [smem:$0x3F9E];
	_ =	sdelay $0x3  }
0x36: {  	p1 =	seq.s32 s10, $0x1;
	s10 =	sld [smem:$0x3F9F];
	_ =	sdelay $0x3  }
0x37: {  	[smem:$0x3F9F] =	sst s10  }
0x38: {  	s10 =	sld [smem:$0x3FA0]  }
0x39: {  	_ = 	snop;
	(pc) =	sbr.ind lr, $3  }
0x3a: {  	_ = 	snop  }
0x3b: {  	_ = 	snop  }
0x3c: {  	p2 =	seq.s32 s10, $0x1;
	s10 =	sld [smem:$0x3F9F]  }
0x3d: {  	_ =	shalt  }
0x3e: {  	_ =	shalt  }
0x3f: {  	_ =	shalt  }
0x40: {  	_ =	shalt  }
0x41: {  	_ =	shalt  }
0x42: {  	_ =	shalt  }
0x43: {  	_ =	shalt  }
0x44: {  	_ =	shalt  }
0x45: {  	_ =	shalt  }
0x46: {  	_ =	shalt  }
0x47: {  	_ =	shalt  }
0x48: {  	_ =	shalt  }
0x49: {  	_ =	shalt  }
0x4a: {  	_ =	shalt  }
0x4b: {  	_ =	shalt  }
0x4c: {  	_ =	shalt  }
0x4d: {  	_ =	shalt  }
0x4e: {  	_ =	shalt  }
0x4f: {  	_ =	shalt  }
0x50: {  	_ =	shalt  }
0x51: {  	_ =	shalt  }
0x52: {  	_ =	shalt  }
0x53: {  	_ =	shalt  }
0x54: {  	_ =	shalt  }
0x55: {  	_ =	shalt  }
0x56: {  	_ =	shalt  }
0x57: {  	_ =	shalt  }
0x58: {  	_ =	shalt  }
0x59: {  	_ =	shalt  }
0x5a: {  	_ =	shalt  }
0x5b: {  	_ =	shalt  }
0x5c: {  	_ =	shalt  }
0x5d: {  	_ =	shalt  }
0x5e: {  	_ =	shalt  }
0x5f: {  	_ =	shalt  }
0x60: {  	_ =	shalt  }
0x61: {  	_ =	shalt  }
0x62: {  	_ =	shalt  }
0x63: {  	_ =	shalt  }
0x64: {  	_ =	shalt  }
0x65: {  	_ =	shalt  }
0x66: {  	_ =	shalt  }
0x67: {  	_ =	shalt  }
0x68: {  	_ =	shalt  }
0x69: {  	_ =	shalt  }
0x6a: {  	_ =	shalt  }
0x6b: {  	_ =	shalt  }
0x6c: {  	_ =	shalt  }
0x6d: {  	_ =	shalt  }
0x6e: {  	_ =	shalt  }
0x6f: {  	_ =	shalt  }
0x70: {  	_ =	shalt  }
0x71: {  	_ =	shalt  }
0x72: {  	_ =	shalt  }
0x73: {  	_ =	shalt  }
0x74: {  	_ =	shalt  }
0x75: {  	_ =	shalt  }
0x76: {  	_ =	shalt  }
0x77: {  	_ =	shalt  }
0x78: {  	_ =	shalt  }
0x79: {  	_ =	shalt  }
0x7a: {  	_ =	shalt  }
0x7b: {  	_ =	shalt  }
0x7c: {  	_ =	shalt  }
0x7d: {  	_ =	shalt  }
0x7e: {  	_ =	shalt  }
0x7f: {  	_ =	shalt  }
0x80: {  	_ =	shalt  }
0x81: {  	_ =	shalt  }
0x82: {  	_ =	shalt  }
0x83: {  	_ =	shalt  }
0x84: {  	_ =	shalt  }
0x85: {  	_ =	shalt  }
0x86: {  	_ =	shalt  }
0x87: {  	_ =	shalt  }
.Lfunc_end0:
.L_simem_size_0:
called_computation.1_lowered:
.L_overlay_start_0:
0x88: {  	s2 =	sld [smem:$0x3FD9]  }
0x89: {  	s3 =	sld [smem:$0x3FFE];
	_ =	sdelay $0x1  }
0x8a: {  	s1 =	srdreg.scid  }
0x8b: {  	s0 =	sand.u32 $0x1, s1  }
0x8c: {  	s16 =	sshll.u32 s0, $0xA;
	s2 =	sadd.s32 s3, s2  }
0x8d: {  	s2 =	sadd.s32 s2, s16  }
0x8e: {  	[smem:$0x3FAB] =	sst s2  }
0x8f: {  	_ = 	snop  }
0x90: {  	(tm) =	ssettm $0x1  }
0x91: {  	s17 =	sld [smem:$0x3FFB];
	_ =	sdelay $0x3  }
0x92: {  	_ =	strace s17  }
0x93: {  	s2 =	sld [smem:$0x3FFC];
	_ =	sdelay $0x3  }
0x94: {  	_ =	strace s2  }
0x95: {  	s2 =	sld [smem:$0x3FFD];
	_ =	sdelay $0x3  }
0x96: {  	_ =	strace s2  }
0x97: {  	_ =	strace $0x8FFFFFFF  }
0x98: {  	s18 =	sld [smem:$0x3FDB];
	_ =	sdelay $0x1  }
0x99: {  	s19 =	simm.s32 $_scs_section_size  }
0x9a: {  	s4 =	simm.s32 $_size__tile_overlayer_lowered;
	s5 =	simm.s32 $_tile_overlayer_lowered  }
0x9b: {  	s22 =	simm.s32 $0x1BFF;
	s21 =	sshll.u32 s5, $0x1;
	s2 =	sadd.s32 s19, s18  }
0x9c: {  	s6 =	simm.s32 $0x0;
	s20 =	sshll.u32 s4, $0x1;
	s4 =	sadd.s32 s21, s2  }
0x9d: {  	[timem:s6], [sflag:s22] =	dma.local [hbm:s4], s20  }
0x9e: {  	_ =	swait.ge [sflag:s22], s20  }
0x9f: {  	s3 =	ssub.s32 $0x0, s20;
	[sflag:s22] =	ssyncset.done $0x0  }
0xa0: {  	[sflag:s22] =	ssyncadd.s32 s3;
	_ =	sdelay $0x1  }
0xa1: {  	s23 =	simm.s32 $0x1B8B  }
0xa2: {  	_ =	swait.ge [sflag:s23], $0x1  }
0xa3: {  	[sflag:s23] =	ssyncset.done $0x0  }
0xa4: {  	s25 =	simm.s32 $0x1B8E;
	s24 =	sld [smem:$0x3FFE];
	[sflag:s23] =	ssyncadd.s32 $0xFFFFFFFF  }
0xa5: {  	s26 =	simm.s32 $execute0_lowered;
	[smem:$0x3FD2] =	sst s25  }
0xa6: {  	s4 =	sshll.u32 s26, $0x1;
	_ =	strace $0x80000049;
	[dreg:$0x1] =	wrdreg $0xFFFFFFFF  }
0xa7: {  	s28 =	simm.s32 $_size_execute0_lowered;
	s2 =	sadd.s32 s2, s4;
	[dreg:$0x0] =	wrdreg $0x0  }
0xa8: {  	s4 =	sshll.u32 s28, $0x1;
	[dreg:$0x2] =	wrdreg s2  }
0xa9: {  	[dreg:$0x3] =	wrdreg s4  }
0xaa: {  	[dreg:$0x4] =	wrdreg $0xC0  }
0xab: {  	_ =	task [dreg:s6], $0x5FFFF  }
0xac: {  	[dreg:$0x1] =	wrdreg $0xFFFFFFFF  }
0xad: {  	[dreg:$0x0] =	wrdreg $0x60  }
0xae: {  	[dreg:$0x2] =	wrdreg s24  }
0xaf: {  	[dreg:$0x3] =	wrdreg $0x90800  }
0xb0: {  	[dreg:$0x4] =	wrdreg $0x9  }
0xb1: {  	_ =	task.clear_ibuf [dreg:s6], $0x5FFFF;
	_ =	strace $0x90000049  }
0xb2: {  	s29 =	simm.s32 $0x9;
	_ =	strace $0x8000004B  }
0xb3: {  	_ =	swait.ge [sflag:s29], $0x1  }
0xb4: {  	[sflag:s29] =	ssyncadd.s32 $0xFFFFFFFF  }
0xb5: {  	_ =	strace $0x9000004B  }
0xb6: {  	_ =	sfence  }
0xb7: {  	s30 =	sld [smem:$0x0];
	_ =	sdelay $0x2  }
0xb8: {  	s31 =	sshll.u32 s1, $0xD;
	s1 =	sshrl.u32 s1, $0x2  }
0xb9: {  	s3 =	sand.u32 $0x4000, s31;
	s1 =	sadd.s32 s1, s30  }
0xba: {  	s0 =	sor.u32 s3, s0;
	s1 =	sshll.u32 s1, $0x11  }
0xbb: {  	s0 =	sor.u32 s1, s0  }
0xbc: {  	s0 =	sadd.s32 $0x8F2B, s0  }
0xbd: {  	[sflag:s0] =	ssyncadd.remote.s32 $0x1  }
0xbe: {  	_ =	sfence.sel $0xFFFF  }
0xbf: {  	[dreg:$0x0] =	wrdreg $0xFFFFFFFF;
	(pc) =	sbr.abs _section_cstart, $3  }
0xc0: {  	[dreg:$0x1] =	wrdreg $0xFFFFFFFF  }
0xc1: {  	_ =	task.clear_ibuf [dreg:s6], $0x2FFFF;
	_ =	strace $0x9FFFFFFF  }
0xc2: {  	(tm) =	ssettm $0x7FFFFFFF  }
0xc3: {  	_ =	shalt  }
tec
execute0_lowered:
.L_overlay_start_1:
0x0: {  	(tag) =	ssettag $0x1  }
0x1: {  	s0 =	stileid.u32  }
0x2: {  	s1 =	srdreg.scid;
	s4 =	rddreg [dreg:$0x0]  }
0x3: {  	s2 =	rddreg [dreg:$0x1];
	s3 =	simm.s32 $0x0;
	s5 =	smul.u32 $0x4E20, s0  }
0x4: {  	s15 =	simm.s32 $0x80;
	s16 =	simm.s32 $0x50;
	s8 =	smul.u32 $0x4E200, s0  }
0x5: {  	s7 =	sand.u32 $0x1, s1;
	s1 =	rddreg [dreg:$0x2];
	s25 =	smul.u32 $0x4E000, s0  }
0x6: {  	s19 =	simm.s32 $0x0;
	[smem:$0x7FF] =	sst s3;
	s11 =	smul.u32 $0x13800, s0  }
0x7: {  	s26 =	sadd.s32 $0xF10800, s4;
	p0 =	sne.s32 s0, $0xF;
	s6 =	smul.u32 $0x2710, s7  }
0x8: {  	s17 =	sshll.u32 s0, $0x6;
	_ =	strace $0x8000004A;
	s9 =	smul.u32 $0x138800, s7  }
0x9: {  	s28 =	ssub.s32 $0x2, s7;
	s14 =	smul.u32 $0x27100, s7;
	s7 =	sadd.s32 $0x138000, s2  }
0xa: {  	s17 =	sor.u32 $0x1C01, s17;
	s10 =	sadd.s32 s8, s4;
	s30 =	sshrl.u32 s28, $0x1  }
0xb: {  	s29 =	sshrl.u32 s25, $0x2;
	s5 =	sadd.s32 s6, s5;
	s13 =	ssub.s32 s28, s30  }
0xc: {  	s11 =	sadd.s32 s11, s9;
	s9 =	sshrl.u32 s9, $0x3;
	s31 =	sadd.s32 s14, s10  }
0xd: {  	s14 =	simm.s32 $0x1;
	s5 =	sshrl.u32 s5, $0x3;
	s11 =	sshrl.u32 s11, $0x3  }
0xe: {  	s9 =	sadd.s32 s26, s9;
	s10 =	smax.u32 s13, $0x1;
	s13 =	simm.s32 $0x2880  }
0xf: {  	s12 =	sadd.s32 s5, s4;
	s4 =	sadd.s32 s29, s2;
	s8 =	sadd.s32 s26, s11  }
0x10: {  	s9 =	sadd.s32 $0x27000, s9;
	s11 =	sadd.s32 $0x13F2800, s31;
	s5 =	sadd.s32 $0x6800, s4  }
0x11: {  	v0 =	vimm.f32 $0.0e+00;
	s6 =	sadd.s32 $0xD000, s4;
	s12 =	sadd.s32 $0x12000, s12;
	s18 =	sshrl.u32 s4, $0x3  }
.LBB2_1:
0x12: {  	s20 =	simm.s32 $0x0;
	s21 =	simm.s32 $0x200  }
.LBB2_2:
0x13: {  	p1 =	sne.s32 s21, $0x19E00;
	[tilespmem:s20+$0x28F0] =	vst v0  }
0x14: {  	[tilespmem:s20+$0x2880] =	vst v0  }
0x15: {  	[tilespmem:s20+$0x2890] =	vst v0  }
.Ltmp0:
0x16: {  	[tilespmem:s20+$0x28A0] =	vst v0;
	(pc) =	sbr.rel @p1 .LBB2_2-.Ltmp0, $4  }
0x17: {  	[tilespmem:s20+$0x28B0] =	vst v0  }
0x18: {  	[tilespmem:s20+$0x28C0] =	vst v0  }
0x19: {  	[tilespmem:s20+$0x28D0] =	vst v0  }
0x1a: {  	[tilespmem:s20+$0x28E0] =	vst v0;
	s20 =	sshra.s32 s21, $0x2;
	s21 =	sadd.s32 $0x200, s21  }
0x1b: {  	[tilespmem:s20+$0x28F0] =	vst v0  }
0x1c: {  	[tilespmem:s20+$0x2880] =	vst v0  }
0x1d: {  	[tilespmem:s20+$0x2890] =	vst v0  }
0x1e: {  	[tilespmem:s20+$0x28A0] =	vst v0  }
0x1f: {  	[tilespmem:s20+$0x28B0] =	vst v0  }
0x20: {  	[tilespmem:s20+$0x28C0] =	vst v0  }
0x21: {  	[tilespmem:s20+$0x28D0] =	vst v0  }
0x22: {  	[tilespmem:s20+$0x28E0] =	vst v0  }
0x23: {  	[spmem:s4] =	stream.linear.scatter [tilespmem:s13], [sflag:$0x1], $0x6800, $0x38;
	[tilespmem:$0x1C900] =	vst v63  }
0x24: {  	_ =	swait.ge [sflag:s14], $0x6800  }
0x25: {  	[sflag:s14] =	ssyncset.done $0x0  }
0x26: {  	[sflag:s14] =	ssyncadd.s32 $0xFFFF9800  }
0x27: {  	[spmem:s5] =	stream.linear.scatter [tilespmem:s13], [sflag:$0x1], $0x6800, $0x38;
	[tilespmem:$0x1C900] =	vst v63  }
0x28: {  	_ =	swait.ge [sflag:s14], $0x6800  }
0x29: {  	[sflag:s14] =	ssyncset.done $0x0  }
0x2a: {  	[sflag:s14] =	ssyncadd.s32 $0xFFFF9800  }
0x2b: {  	[spmem:s6] =	stream.linear.scatter [tilespmem:s13], [sflag:$0x1], $0x6800, $0x38;
	[tilespmem:$0x1C900] =	vst v63  }
0x2c: {  	_ =	swait.ge [sflag:s14], $0x6800  }
0x2d: {  	[sflag:s14] =	ssyncset.done $0x0  }
0x2e: {  	s20 =	simm.s32 @!p0 $0x2880;
	[sflag:s14] =	ssyncadd.s32 $0xFFFF9800  }
0x2f: {  	[spmem:s7] =	stream.linear.scatter @!p0 [tilespmem:s20], [sflag:$0x1], $0x800, $0x38;
	[tilespmem:$0x1C900] =	vst v63  }
0x30: {  	s20 =	simm.s32 @!p0 $0x1  }
0x31: {  	_ =	swait.ge @!p0 [sflag:s20], $0x800  }
0x32: {  	[sflag:s20] =	ssyncset.done @!p0 $0x0  }
0x33: {  	[sflag:s20] =	ssyncadd.s32 @!p0 $0xFFFFF800  }
0x34: {  	s31 =	sadd.s32 $0x0, s12;
	[bflag:$0x0] =	sbarrier.arrive $0xFFFF  }
0x35: {  	[tilespmem:s3], [sflag:$0x1] =	stream.linear.gather [hbm4b:s31+s3], $0x50, $0x38;
	[tilespmem:$0x1C900] =	vst v63  }
0x36: {  	_ =	swait.ge [sflag:s14], $0x50  }
0x37: {  	[sflag:s14] =	ssyncset.done $0x0  }
0x38: {  	[sflag:s14] =	ssyncadd.s32 $0xFFFFFFB0  }
0x39: {  	[tilespmem:s15], [sflag:$0x1] =	stream.linear.gather [hbm4b:s11+s3], $0x2800, $0x38;
	[tilespmem:$0x1C900] =	vst v63  }
0x3a: {  	_ =	swait.ge [sflag:s14], $0x2800  }
0x3b: {  	[sflag:s14] =	ssyncset.done $0x0  }
0x3c: {  	[sflag:s14] =	ssyncadd.s32 $0xFFFFD800  }
0x3d: {  	[spmem:s2] =	stream.indirect.scatter.add.f32 [tilespmem:s15], [sflag:$0x1], $0x80, s3, s16, $0xb8;
	[tilespmem:$0x1C900] =	vst v63  }
0x3e: {  	s21 =	simm.s32 $0xA;
	_ =	swait.ge [sflag:s14], $0x2800  }
0x3f: {  	s22 =	simm.s32 $0x14;
	s20 =	sadd.s32 $0x500, s11;
	[sflag:s14] =	ssyncset.done $0x0  }
.LBB2_4:
0x40: {  	s23 =	sadd.s32 s21, s12  }
0x41: {  	[sflag:s14] =	ssyncadd.s32 $0xFFFFD800;
	s21 =	smov.u32 s22;
	s24 =	sadd.s32 $0xA, s22  }
0x42: {  	[tilespmem:s3], [sflag:$0x1] =	stream.linear.gather [hbm4b:s23+s3], $0x50, $0x38;
	[tilespmem:$0x1C900] =	vst v63  }
0x43: {  	p1 =	sne.s32 s22, $0x4D8;
	_ =	swait.ge [sflag:s14], $0x50  }
0x44: {  	[sflag:s14] =	ssyncset.done $0x0  }
0x45: {  	[sflag:s14] =	ssyncadd.s32 $0xFFFFFFB0  }
0x46: {  	[tilespmem:s15], [sflag:$0x1] =	stream.linear.gather [hbm4b:s20+s3], $0x2800, $0x38;
	[tilespmem:$0x1C900] =	vst v63  }
0x47: {  	_ =	swait.ge [sflag:s14], $0x2800  }
.Ltmp1:
0x48: {  	[sflag:s14] =	ssyncset.done $0x0;
	(pc) =	sbr.rel @p1 .LBB2_4-.Ltmp1, $4  }
0x49: {  	[sflag:s14] =	ssyncadd.s32 $0xFFFFD800  }
0x4a: {  	[spmem:s2] =	stream.indirect.scatter.add.f32 [tilespmem:s15], [sflag:$0x1], $0x80, s3, s16, $0xb8;
	[tilespmem:$0x1C900] =	vst v63  }
0x4b: {  	_ =	swait.ge [sflag:s14], $0x2800  }
0x4c: {  	s22 =	smov.u32 s24;
	s20 =	sadd.s32 $0x500, s20;
	[sflag:s14] =	ssyncset.done $0x0  }
0x4d: {  	s21 =	sadd.s32 s21, s12;
	[sflag:s14] =	ssyncadd.s32 $0xFFFFD800  }
0x4e: {  	[tilespmem:s3], [sflag:$0x1] =	stream.linear.gather [hbm4b:s21+s3], $0x50, $0x38;
	[tilespmem:$0x1C900] =	vst v63  }
0x4f: {  	_ =	swait.ge [sflag:s14], $0x50  }
0x50: {  	[sflag:s14] =	ssyncset.done $0x0  }
0x51: {  	[sflag:s14] =	ssyncadd.s32 $0xFFFFFFB0  }
0x52: {  	[tilespmem:s15], [sflag:$0x1] =	stream.linear.gather [hbm4b:s20+s3], $0x2800, $0x38;
	[tilespmem:$0x1C900] =	vst v63  }
0x53: {  	_ =	swait.ge [sflag:s14], $0x2800  }
0x54: {  	[sflag:s14] =	ssyncset.done $0x0  }
0x55: {  	[sflag:s14] =	ssyncadd.s32 $0xFFFFD800  }
0x56: {  	[spmem:s2] =	stream.indirect.scatter.add.f32 [tilespmem:s15], [sflag:$0x1], $0x80, s3, s16, $0xb8;
	[tilespmem:$0x1C900] =	vst v63  }
0x57: {  	_ =	swait.ge [sflag:s14], $0x2800  }
0x58: {  	[sflag:s14] =	ssyncset.done $0x0  }
0x59: {  	[sflag:s14] =	ssyncadd.s32 $0xFFFFD800  }
0x5a: {  	[bflag:$0x0] =	sbarrier.arrive $0xFFFF  }
0x5b: {  	[hbm:s8], [sflag:s17] =	dma.local [spmem:s18], $0x2700  }
0x5c: {  	_ =	swait.ge [sflag:s14], $0x2700  }
0x5d: {  	s19 =	sadd.s32 $0x1, s19;
	[sflag:s14] =	ssyncset.done $0x0  }
0x5e: {  	p1 =	sne.s32 s19, s10;
	s20 =	sshrl.u32 @!p0 s7, $0x3;
	[sflag:s14] =	ssyncadd.s32 $0xFFFFD900  }
0x5f: {  	[hbm:s9], [sflag:s17] =	dma.local @!p0 [spmem:s20], $0x100  }
.Ltmp2:
0x60: {  	_ = 	snop;
	(pc) =	sbr.rel @p1 .LBB2_1-.Ltmp2, $4  }
0x61: {  	s20 =	simm.s32 @!p0 $0x1  }
0x62: {  	_ =	swait.ge @!p0 [sflag:s20], $0x100  }
0x63: {  	[sflag:s20] =	ssyncset.done @!p0 $0x0  }
0x64: {  	[sflag:s20] =	ssyncadd.s32 @!p0 $0xFFFFFF00  }
0x65: {  	_ =	sfence.sel $0x180000  }
0x66: {  	[bflag:$0x0] =	sbarrier.arrive $0xFFFF  }
0x67: {  	p0 =	sne.s32 s0, $0x0;
	_ =	strace $0x9000004A  }
0x68: {  	s0 =	sadd.s32 @!p0 $0x100000, s1;
	[bflag:$0x2] =	sbarrier.arrive $0xFFFF  }
0x69: {  	[sflag:s0] =	ssyncadd.tile.s32 @!p0 $0x1;
	_ =	shalt  }
.Lfunc_end2:
_tile_overlayer_lowered:
.L_overlay_start_2:
0x6a: {  	(tag) =	ssettag $0x2  }
0x6b: {  	s0 =	rddreg [dreg:$0x0];
	s2 =	stileid.u32  }
0x6c: {  	s1 =	rddreg [dreg:$0x1];
	p0 =	sne.s32 s2, $0x0  }
0x6d: {  	s3 =	rddreg [dreg:$0x2];
	[bflag:$0x3] =	sbarrier.arrive $0xFFFF;
	s2 =	simm.s32 @!p0 $0x1C01  }
0x6e: {  	[timem:s3], [sflag:s2] =	dma.local @!p0 [hbm:s0], s1  }
0x6f: {  	s0 =	simm.s32 @!p0 $0x1  }
0x70: {  	_ =	swait.ge @!p0 [sflag:s0], s1  }
0x71: {  	s1 =	ssub.s32 @!p0 $0x0, s1;
	[sflag:s0] =	ssyncset.done @!p0 $0x0  }
0x72: {  	[sflag:s0] =	ssyncadd.s32 @!p0 s1  }
0x73: {  	[bflag:$0x3] =	sbarrier.arrive $0xFFFF  }
0x74: {  	_ =	shalt  }

// kernel: kernel.15.cloned.1.call-start
scs
__scs_entry_jumppad:
0x0: {  	(pc) =	sbr.rel $0x88, $3  }
0x1: {  	(tag) =	ssettag $0x0;
	lr =	simm.s32 $0x1  }
0x2: {  	[smem:$0x3F84] =	sst lr;
	_ =	strace $0xD0000000  }
0x3: {  	_ = 	snop  }
0x4: {  	_ = 	snop  }
0x5: {  	_ = 	snop  }
0x6: {  	_ = 	snop  }
0x7: {  	_ = 	snop  }
__scs_overlays_trampoline_lowered:
0x8: {  	[smem:$0x3F93] =	sst s0  }
0x9: {  	[smem:$0x3F94] =	sst s1  }
0xa: {  	[smem:$0x3F95] =	sst s2  }
0xb: {  	[smem:$0x3F96] =	sst s3  }
0xc: {  	[smem:$0x3F97] =	sst s4  }
0xd: {  	[smem:$0x3F98] =	sst s5  }
0xe: {  	[smem:$0x3F99] =	sst s6  }
0xf: {  	[smem:$0x3F9A] =	sst s7  }
0x10: {  	[smem:$0x3F9B] =	sst s8  }
0x11: {  	[smem:$0x3F9C] =	sst s9;
	s0 =	simm.s32 @!p0 $0x0  }
0x12: {  	s1 =	sld [smem:$0x3F82];
	s0 =	simm.s32 @p0 $0x1  }
0x13: {  	[smem:$0x3F9D] =	sst s0;
	s0 =	simm.s32 @!p1 $0x0  }
0x14: {  	s2 =	sld [smem:$0x3F81];
	s0 =	simm.s32 @p1 $0x1  }
0x15: {  	[smem:$0x3F9E] =	sst s0;
	s0 =	simm.s32 @!p2 $0x0  }
0x16: {  	s3 =	sld [smem:$0x3FDB];
	s0 =	simm.s32 @p2 $0x1  }
0x17: {  	s4 =	simm.s32 $0x1BF5;
	[smem:$0x3FA0] =	sst s0  }
0x18: {  	s0 =	sld [smem:$0x3F83];
	_ =	swait.ge [sflag:s4], $0x0  }
0x19: {  	s7 =	sld [smem:$0x3F84]  }
0x1a: {  	s8 =	sadd.s32 $0xFFFFE003, lr  }
0x1b: {  	s9 =	sadd.s32 $0xFFFFFEF7, lr;
	s5 =	simm.s32 $0xFFFFFFFF;
	p2 =	slt.u32 s8, $0xFFFFF086  }
0x1c: {  	p1 =	slt.u32 s9, $0xF7A;
	s5 =	simm.s32 @!p2 $0x0  }
0x1d: {  	s5 =	simm.s32 @p1 $0x1;
	p0 =	seq.s32 s7, s2  }
0x1e: {  	s7 =	smul.u32 @!p0 $0xF7A, s2;
	p2 =	seq.s32 @!p0 s5, $0x0  }
0x1f: {  	s9 =	smul.u32 $0xF7A, s1;
	s8 =	simm.s32 @!p0 $0x1BF5;
	p2 =	por !p2, p0  }
0x20: {  	[sflag:s8] =	ssyncset.s32 @!p0 $0xFFFFF086;
	s6 =	sadd.s32 @!p0 s3, s7;
	s7 =	simm.s32 @!p0 $0x108  }
0x21: {  	s3 =	sadd.s32 s3, s9;
	s6 =	sadd.s32 @!p0 $0x88, s6;
	s7 =	simm.s32 @p2 $0x1082  }
0x22: {  	[simem:s7], [sflag:s8] =	dma.local @!p0 [hbm:s6], $0xF7A  }
0x23: {  	s9 =	sor.u32 $0xD0000000, s2;
	s6 =	simm.s32 $0x108;
	_ =	swait.ge @!p0 [sflag:s8], $0x0  }
0x24: {  	s3 =	sadd.s32 $0x88, s3;
	s6 =	simm.s32 @!p1 $0x1082;
	[sflag:s4] =	ssyncset.s32 $0xFFFFF086  }
0x25: {  	[simem:s6], [sflag:s4] =	dma.local [hbm:s3], $0xF7A  }
0x26: {  	[smem:$0x3F84] =	sst s1;
	(tag) =	ssettag s2;
	_ =	strace s9  }
0x27: {  	s1 =	sld [smem:$0x3F94]  }
0x28: {  	s2 =	sld [smem:$0x3F95]  }
0x29: {  	s4 =	sld [smem:$0x3F97]  }
0x2a: {  	p0 =	seq.s32 s5, $0x0;
	s5 =	sld [smem:$0x3F98]  }
0x2b: {  	s6 =	sld [smem:$0x3F99]  }
0x2c: {  	s7 =	sld [smem:$0x3F9A]  }
0x2d: {  	s3 =	simm.s32 $0x108;
	s8 =	sld [smem:$0x3F9B]  }
0x2e: {  	s3 =	simm.s32 @!p0 $0x1082;
	s9 =	sld [smem:$0x3F9C]  }
0x2f: {  	lr =	sadd.s32 s0, s3;
	s0 =	sld [smem:$0x3F93]  }
0x30: {  	s3 =	sld [smem:$0x3F96]  }
0x31: {  	[smem:$0x3F9F] =	sst s10  }
0x32: {  	s10 =	sld [smem:$0x3F9D];
	_ =	sdelay $0x3  }
0x33: {  	p0 =	seq.s32 s10, $0x1;
	s10 =	sld [smem:$0x3F9F];
	_ =	sdelay $0x3  }
0x34: {  	[smem:$0x3F9F] =	sst s10  }
0x35: {  	s10 =	sld [smem:$0x3F9E];
	_ =	sdelay $0x3  }
0x36: {  	p1 =	seq.s32 s10, $0x1;
	s10 =	sld [smem:$0x3F9F];
	_ =	sdelay $0x3  }
0x37: {  	[smem:$0x3F9F] =	sst s10  }
0x38: {  	s10 =	sld [smem:$0x3FA0]  }
0x39: {  	_ = 	snop;
	(pc) =	sbr.ind lr, $3  }
0x3a: {  	_ = 	snop  }
0x3b: {  	_ = 	snop  }
0x3c: {  	p2 =	seq.s32 s10, $0x1;
	s10 =	sld [smem:$0x3F9F]  }
0x3d: {  	_ =	shalt  }
0x3e: {  	_ =	shalt  }
0x3f: {  	_ =	shalt  }
0x40: {  	_ =	shalt  }
0x41: {  	_ =	shalt  }
0x42: {  	_ =	shalt  }
0x43: {  	_ =	shalt  }
0x44: {  	_ =	shalt  }
0x45: {  	_ =	shalt  }
0x46: {  	_ =	shalt  }
0x47: {  	_ =	shalt  }
0x48: {  	_ =	shalt  }
0x49: {  	_ =	shalt  }
0x4a: {  	_ =	shalt  }
0x4b: {  	_ =	shalt  }
0x4c: {  	_ =	shalt  }
0x4d: {  	_ =	shalt  }
0x4e: {  	_ =	shalt  }
0x4f: {  	_ =	shalt  }
0x50: {  	_ =	shalt  }
0x51: {  	_ =	shalt  }
0x52: {  	_ =	shalt  }
0x53: {  	_ =	shalt  }
0x54: {  	_ =	shalt  }
0x55: {  	_ =	shalt  }
0x56: {  	_ =	shalt  }
0x57: {  	_ =	shalt  }
0x58: {  	_ =	shalt  }
0x59: {  	_ =	shalt  }
0x5a: {  	_ =	shalt  }
0x5b: {  	_ =	shalt  }
0x5c: {  	_ =	shalt  }
0x5d: {  	_ =	shalt  }
0x5e: {  	_ =	shalt  }
0x5f: {  	_ =	shalt  }
0x60: {  	_ =	shalt  }
0x61: {  	_ =	shalt  }
0x62: {  	_ =	shalt  }
0x63: {  	_ =	shalt  }
0x64: {  	_ =	shalt  }
0x65: {  	_ =	shalt  }
0x66: {  	_ =	shalt  }
0x67: {  	_ =	shalt  }
0x68: {  	_ =	shalt  }
0x69: {  	_ =	shalt  }
0x6a: {  	_ =	shalt  }
0x6b: {  	_ =	shalt  }
0x6c: {  	_ =	shalt  }
0x6d: {  	_ =	shalt  }
0x6e: {  	_ =	shalt  }
0x6f: {  	_ =	shalt  }
0x70: {  	_ =	shalt  }
0x71: {  	_ =	shalt  }
0x72: {  	_ =	shalt  }
0x73: {  	_ =	shalt  }
0x74: {  	_ =	shalt  }
0x75: {  	_ =	shalt  }
0x76: {  	_ =	shalt  }
0x77: {  	_ =	shalt  }
0x78: {  	_ =	shalt  }
0x79: {  	_ =	shalt  }
0x7a: {  	_ =	shalt  }
0x7b: {  	_ =	shalt  }
0x7c: {  	_ =	shalt  }
0x7d: {  	_ =	shalt  }
0x7e: {  	_ =	shalt  }
0x7f: {  	_ =	shalt  }
0x80: {  	_ =	shalt  }
0x81: {  	_ =	shalt  }
0x82: {  	_ =	shalt  }
0x83: {  	_ =	shalt  }
0x84: {  	_ =	shalt  }
0x85: {  	_ =	shalt  }
0x86: {  	_ =	shalt  }
0x87: {  	_ =	shalt  }
.Lfunc_end0:
.L_simem_size_0:
called_computation.2_lowered:
.L_overlay_start_0:
0x88: {  	s2 =	sld [smem:$0x3FD9]  }
0x89: {  	s3 =	sld [smem:$0x3FFE];
	_ =	sdelay $0x1  }
0x8a: {  	s1 =	srdreg.scid  }
0x8b: {  	s0 =	sand.u32 $0x1, s1  }
0x8c: {  	s16 =	sshll.u32 s0, $0xA;
	s2 =	sadd.s32 s3, s2  }
0x8d: {  	s2 =	sadd.s32 s2, s16  }
0x8e: {  	[smem:$0x3FAB] =	sst s2  }
0x8f: {  	_ = 	snop  }
0x90: {  	(tm) =	ssettm $0x1  }
0x91: {  	s17 =	sld [smem:$0x3FFB];
	_ =	sdelay $0x3  }
0x92: {  	_ =	strace s17  }
0x93: {  	s2 =	sld [smem:$0x3FFC];
	_ =	sdelay $0x3  }
0x94: {  	_ =	strace s2  }
0x95: {  	s2 =	sld [smem:$0x3FFD];
	_ =	sdelay $0x3  }
0x96: {  	_ =	strace s2  }
0x97: {  	_ =	strace $0x8FFFFFFF  }
0x98: {  	s18 =	sld [smem:$0x3FDB];
	_ =	sdelay $0x1  }
0x99: {  	s19 =	simm.s32 $_scs_section_size  }
0x9a: {  	s4 =	simm.s32 $_size__tile_overlayer_lowered;
	s5 =	simm.s32 $_tile_overlayer_lowered  }
0x9b: {  	s22 =	simm.s32 $0x1BFF;
	s21 =	sshll.u32 s5, $0x1;
	s2 =	sadd.s32 s19, s18  }
0x9c: {  	s6 =	simm.s32 $0x0;
	s20 =	sshll.u32 s4, $0x1;
	s4 =	sadd.s32 s21, s2  }
0x9d: {  	[timem:s6], [sflag:s22] =	dma.local [hbm:s4], s20  }
0x9e: {  	_ =	swait.ge [sflag:s22], s20  }
0x9f: {  	s3 =	ssub.s32 $0x0, s20;
	[sflag:s22] =	ssyncset.done $0x0  }
0xa0: {  	[sflag:s22] =	ssyncadd.s32 s3;
	_ =	sdelay $0x1  }
0xa1: {  	s23 =	simm.s32 $0x1B8B  }
0xa2: {  	_ =	swait.ge [sflag:s23], $0x1  }
0xa3: {  	[sflag:s23] =	ssyncset.done $0x0  }
0xa4: {  	s25 =	simm.s32 $0x1B8E;
	s24 =	sld [smem:$0x3FFE];
	[sflag:s23] =	ssyncadd.s32 $0xFFFFFFFF  }
0xa5: {  	s26 =	simm.s32 $execute0_lowered;
	[smem:$0x3FD2] =	sst s25  }
0xa6: {  	s4 =	sshll.u32 s26, $0x1;
	_ =	strace $0x8000004C;
	[dreg:$0x1] =	wrdreg $0xFFFFFFFF  }
0xa7: {  	s28 =	simm.s32 $_size_execute0_lowered;
	s2 =	sadd.s32 s2, s4;
	[dreg:$0x0] =	wrdreg $0x0  }
0xa8: {  	s4 =	sshll.u32 s28, $0x1;
	[dreg:$0x2] =	wrdreg s2  }
0xa9: {  	[dreg:$0x3] =	wrdreg s4  }
0xaa: {  	[dreg:$0x4] =	wrdreg $0xC0  }
0xab: {  	_ =	task [dreg:s6], $0x5FFFF  }
0xac: {  	[dreg:$0x1] =	wrdreg $0xFFFFFFFF  }
0xad: {  	[dreg:$0x0] =	wrdreg $0x60  }
0xae: {  	[dreg:$0x2] =	wrdreg s24  }
0xaf: {  	[dreg:$0x3] =	wrdreg $0x9  }
0xb0: {  	_ =	task.clear_ibuf [dreg:s6], $0x4FFFF;
	_ =	strace $0x9000004C  }
0xb1: {  	s29 =	simm.s32 $0x9;
	_ =	strace $0x8000004E  }
0xb2: {  	_ =	swait.ge [sflag:s29], $0x1  }
0xb3: {  	[sflag:s29] =	ssyncadd.s32 $0xFFFFFFFF  }
0xb4: {  	_ =	strace $0x9000004E  }
0xb5: {  	_ =	sfence  }
0xb6: {  	s30 =	sld [smem:$0x0];
	_ =	sdelay $0x2  }
0xb7: {  	s31 =	sshll.u32 s1, $0xD;
	s1 =	sshrl.u32 s1, $0x2  }
0xb8: {  	s3 =	sand.u32 $0x4000, s31;
	s1 =	sadd.s32 s1, s30  }
0xb9: {  	s0 =	sor.u32 s3, s0;
	s1 =	sshll.u32 s1, $0x11  }
0xba: {  	s0 =	sor.u32 s1, s0  }
0xbb: {  	s0 =	sadd.s32 $0x8F2B, s0  }
0xbc: {  	[sflag:s0] =	ssyncadd.remote.s32 $0x1  }
0xbd: {  	_ =	sfence.sel $0xFFFF  }
0xbe: {  	[dreg:$0x0] =	wrdreg $0xFFFFFFFF;
	(pc) =	sbr.abs _section_cstart, $3  }
0xbf: {  	[dreg:$0x1] =	wrdreg $0xFFFFFFFF  }
0xc0: {  	_ =	task.clear_ibuf [dreg:s6], $0x2FFFF;
	_ =	strace $0x9FFFFFFF  }
0xc1: {  	(tm) =	ssettm $0x7FFFFFFF  }
tec
execute0_lowered:
.L_overlay_start_1:
0x0: {  	(tag) =	ssettag $0x1  }
0x1: {  	s4 =	rddreg [dreg:$0x0]  }
0x2: {  	s0 =	rddreg [dreg:$0x1];
	s2 =	simm.s32 $0x0;
	s3 =	srdreg.scid  }
0x3: {  	s1 =	stileid.u32;
	s10 =	simm.s32 $0x80;
	s11 =	simm.s32 $0x50  }
0x4: {  	s12 =	simm.s32 $0x100;
	s13 =	simm.s32 $0x2900;
	s14 =	simm.s32 $0x1  }
0x5: {  	s15 =	simm.s32 $0x2;
	s16 =	simm.s32 $0x0;
	s6 =	smul.u32 $0x4E20, s1  }
0x6: {  	[smem:$0x7FF] =	sst s2;
	s5 =	sand.u32 $0x1, s3;
	s8 =	smul.u32 $0x4E200, s1  }
0x7: {  	s3 =	sadd.s32 $0xF10800, s4;
	s7 =	smul.u32 $0x2710, s5;
	s9 =	ssub.s32 $0x2, s5  }
0x8: {  	_ =	strace $0x8000004D;
	s5 =	smul.u32 $0x27100, s5;
	s29 =	sshrl.u32 s9, $0x1  }
0x9: {  	s8 =	sadd.s32 s8, s4;
	s6 =	sadd.s32 s7, s6;
	s7 =	ssub.s32 s9, s29  }
0xa: {  	s31 =	sadd.s32 s5, s8;
	s9 =	simm.s32 $0x3;
	s6 =	sshrl.u32 s6, $0x3  }
0xb: {  	s5 =	sadd.s32 $0xF37A00, s31;
	s30 =	sadd.s32 s6, s4;
	s4 =	smax.u32 s7, $0x1  }
0xc: {  	s6 =	sadd.s32 $0x1BE00, s31;
	s7 =	sadd.s32 $0x8200, s30;
	s8 =	sadd.s32 $0x12000, s30  }
.LBB2_1:
0xd: {  	s17 =	sadd.s32 $0x0, s8  }
0xe: {  	[tilespmem:s2], [sflag:$0x3] =	stream.linear.gather [hbm4b:s17+s2], $0x50, $0x38;
	[tilespmem:$0x5100] =	vst v63  }
0xf: {  	_ =	swait.ge [sflag:s9], $0x50  }
0x10: {  	[sflag:s9] =	ssyncset.done $0x0  }
0x11: {  	s31 =	sadd.s32 $0x0, s7;
	[sflag:s9] =	ssyncadd.s32 $0xFFFFFFB0  }
0x12: {  	[tilespmem:s10], [sflag:$0x3] =	stream.linear.gather [hbm4b:s31+s2], $0x50, $0x38;
	[tilespmem:$0x5100] =	vst v63  }
0x13: {  	_ =	swait.ge [sflag:s9], $0x50  }
0x14: {  	[sflag:s9] =	ssyncset.done $0x0  }
0x15: {  	[sflag:s9] =	ssyncadd.s32 $0xFFFFFFB0  }
0x16: {  	[tilespmem:s12], [sflag:$0x1] =	stream.indirect.gather [hbm4b:s3+s11], $0x80, s2, s11, $0xb8;
	[tilespmem:$0x5100] =	vst v63  }
0x17: {  	_ = 	snop  }
0x18: {  	[tilespmem:s13], [sflag:$0x2] =	stream.indirect.gather [hbm4b:s3+s11], $0x80, s10, s11, $0xb8;
	[tilespmem:$0x5100] =	vst v63  }
0x19: {  	_ =	swait.ge [sflag:s14], $0x2800  }
0x1a: {  	[sflag:s14] =	ssyncset.done $0x0  }
0x1b: {  	[sflag:s14] =	ssyncadd.s32 $0xFFFFD800  }
0x1c: {  	_ =	swait.ge [sflag:s15], $0x2800  }
0x1d: {  	[sflag:s15] =	ssyncset.done $0x0  }
0x1e: {  	[sflag:s15] =	ssyncadd.s32 $0xFFFFD800  }
0x1f: {  	[hbm4b:s5+s2] =	stream.linear.scatter [tilespmem:s12], [sflag:$0x3], $0x2800, $0x38;
	[tilespmem:$0x5100] =	vst v63  }
0x20: {  	_ =	swait.ge [sflag:s9], $0x2800  }
0x21: {  	[sflag:s9] =	ssyncset.done $0x0  }
0x22: {  	[sflag:s9] =	ssyncadd.s32 $0xFFFFD800  }
0x23: {  	[hbm4b:s6+s2] =	stream.linear.scatter [tilespmem:s13], [sflag:$0x3], $0x2800, $0x38;
	[tilespmem:$0x5100] =	vst v63  }
0x24: {  	s19 =	simm.s32 $0xA;
	s20 =	simm.s32 $0x14;
	_ =	swait.ge [sflag:s9], $0x2800  }
0x25: {  	s18 =	sadd.s32 $0x500, s5;
	s17 =	sadd.s32 $0x500, s6;
	[sflag:s9] =	ssyncset.done $0x0  }
.LBB2_2:
0x26: {  	s21 =	sadd.s32 s19, s8  }
0x27: {  	[sflag:s9] =	ssyncadd.s32 $0xFFFFD800;
	s22 =	smov.u32 s20;
	s23 =	sadd.s32 $0xA, s20  }
0x28: {  	[tilespmem:s2], [sflag:$0x3] =	stream.linear.gather [hbm4b:s21+s2], $0x50, $0x38;
	[tilespmem:$0x5100] =	vst v63  }
0x29: {  	p0 =	sne.s32 s20, $0x4D8;
	_ =	swait.ge [sflag:s9], $0x50  }
0x2a: {  	[sflag:s9] =	ssyncset.done $0x0  }
0x2b: {  	s20 =	sadd.s32 s19, s7;
	s19 =	smov.u32 s22;
	[sflag:s9] =	ssyncadd.s32 $0xFFFFFFB0  }
0x2c: {  	[tilespmem:s10], [sflag:$0x3] =	stream.linear.gather [hbm4b:s20+s2], $0x50, $0x38;
	[tilespmem:$0x5100] =	vst v63  }
0x2d: {  	_ =	swait.ge [sflag:s9], $0x50  }
0x2e: {  	[sflag:s9] =	ssyncset.done $0x0  }
0x2f: {  	[sflag:s9] =	ssyncadd.s32 $0xFFFFFFB0  }
0x30: {  	[tilespmem:s12], [sflag:$0x1] =	stream.indirect.gather [hbm4b:s3+s11], $0x80, s2, s11, $0xb8;
	[tilespmem:$0x5100] =	vst v63  }
0x31: {  	_ = 	snop  }
0x32: {  	[tilespmem:s13], [sflag:$0x2] =	stream.indirect.gather [hbm4b:s3+s11], $0x80, s10, s11, $0xb8;
	[tilespmem:$0x5100] =	vst v63  }
0x33: {  	_ =	swait.ge [sflag:s14], $0x2800  }
0x34: {  	[sflag:s14] =	ssyncset.done $0x0  }
0x35: {  	[sflag:s14] =	ssyncadd.s32 $0xFFFFD800  }
0x36: {  	_ =	swait.ge [sflag:s15], $0x2800  }
0x37: {  	[sflag:s15] =	ssyncset.done $0x0  }
0x38: {  	[sflag:s15] =	ssyncadd.s32 $0xFFFFD800  }
0x39: {  	[hbm4b:s18+s2] =	stream.linear.scatter [tilespmem:s12], [sflag:$0x3], $0x2800, $0x38;
	[tilespmem:$0x5100] =	vst v63  }
0x3a: {  	_ =	swait.ge [sflag:s9], $0x2800  }
.Ltmp0:
0x3b: {  	[sflag:s9] =	ssyncset.done $0x0;
	(pc) =	sbr.rel @p0 .LBB2_2-.Ltmp0, $4  }
0x3c: {  	[sflag:s9] =	ssyncadd.s32 $0xFFFFD800  }
0x3d: {  	[hbm4b:s17+s2] =	stream.linear.scatter [tilespmem:s13], [sflag:$0x3], $0x2800, $0x38;
	[tilespmem:$0x5100] =	vst v63  }
0x3e: {  	s20 =	smov.u32 s23;
	_ =	swait.ge [sflag:s9], $0x2800  }
0x3f: {  	s18 =	sadd.s32 $0x500, s18;
	s17 =	sadd.s32 $0x500, s17;
	[sflag:s9] =	ssyncset.done $0x0  }
0x40: {  	s20 =	sadd.s32 s19, s8;
	[sflag:s9] =	ssyncadd.s32 $0xFFFFD800  }
0x41: {  	[tilespmem:s2], [sflag:$0x3] =	stream.linear.gather [hbm4b:s20+s2], $0x50, $0x38;
	[tilespmem:$0x5100] =	vst v63  }
0x42: {  	_ =	swait.ge [sflag:s9], $0x50  }
0x43: {  	[sflag:s9] =	ssyncset.done $0x0  }
0x44: {  	s31 =	sadd.s32 s19, s7;
	[sflag:s9] =	ssyncadd.s32 $0xFFFFFFB0  }
0x45: {  	[tilespmem:s10], [sflag:$0x3] =	stream.linear.gather [hbm4b:s31+s2], $0x50, $0x38;
	[tilespmem:$0x5100] =	vst v63  }
0x46: {  	_ =	swait.ge [sflag:s9], $0x50  }
0x47: {  	[sflag:s9] =	ssyncset.done $0x0  }
0x48: {  	[sflag:s9] =	ssyncadd.s32 $0xFFFFFFB0  }
0x49: {  	[tilespmem:s12], [sflag:$0x1] =	stream.indirect.gather [hbm4b:s3+s11], $0x80, s2, s11, $0xb8;
	[tilespmem:$0x5100] =	vst v63  }
0x4a: {  	_ = 	snop  }
0x4b: {  	[tilespmem:s13], [sflag:$0x2] =	stream.indirect.gather [hbm4b:s3+s11], $0x80, s10, s11, $0xb8;
	[tilespmem:$0x5100] =	vst v63  }
0x4c: {  	_ =	swait.ge [sflag:s14], $0x2800  }
0x4d: {  	[sflag:s14] =	ssyncset.done $0x0  }
0x4e: {  	[sflag:s14] =	ssyncadd.s32 $0xFFFFD800  }
0x4f: {  	_ =	swait.ge [sflag:s15], $0x2800  }
0x50: {  	[sflag:s15] =	ssyncset.done $0x0  }
0x51: {  	[sflag:s15] =	ssyncadd.s32 $0xFFFFD800  }
0x52: {  	[hbm4b:s18+s2] =	stream.linear.scatter [tilespmem:s12], [sflag:$0x3], $0x2800, $0x38;
	[tilespmem:$0x5100] =	vst v63  }
0x53: {  	s16 =	sadd.s32 $0x1, s16;
	_ =	swait.ge [sflag:s9], $0x2800  }
0x54: {  	p0 =	sne.s32 s16, s4;
	[sflag:s9] =	ssyncset.done $0x0  }
.Ltmp1:
0x55: {  	[sflag:s9] =	ssyncadd.s32 $0xFFFFD800;
	(pc) =	sbr.rel @p0 .LBB2_1-.Ltmp1, $4  }
0x56: {  	[hbm4b:s17+s2] =	stream.linear.scatter [tilespmem:s13], [sflag:$0x3], $0x2800, $0x38;
	[tilespmem:$0x5100] =	vst v63  }
0x57: {  	_ =	swait.ge [sflag:s9], $0x2800  }
0x58: {  	[sflag:s9] =	ssyncset.done $0x0  }
0x59: {  	[sflag:s9] =	ssyncadd.s32 $0xFFFFD800  }
0x5a: {  	_ =	sfence.sel $0x180000  }
0x5b: {  	[bflag:$0x0] =	sbarrier.arrive $0xFFFF  }
0x5c: {  	p0 =	sne.s32 s1, $0x0;
	_ =	strace $0x9000004D  }
0x5d: {  	s0 =	sadd.s32 @!p0 $0x100000, s0;
	[bflag:$0x2] =	sbarrier.arrive $0xFFFF  }
0x5e: {  	[sflag:s0] =	ssyncadd.tile.s32 @!p0 $0x1;
	_ =	shalt  }
.Lfunc_end2:
_tile_overlayer_lowered:
.L_overlay_start_2:
0x5f: {  	(tag) =	ssettag $0x2  }
0x60: {  	s0 =	rddreg [dreg:$0x0];
	s2 =	stileid.u32  }
0x61: {  	s1 =	rddreg [dreg:$0x1];
	p0 =	sne.s32 s2, $0x0  }
0x62: {  	s3 =	rddreg [dreg:$0x2];
	[bflag:$0x3] =	sbarrier.arrive $0xFFFF;
	s2 =	simm.s32 @!p0 $0x1C03  }
0x63: {  	[timem:s3], [sflag:s2] =	dma.local @!p0 [hbm:s0], s1  }
0x64: {  	s0 =	simm.s32 @!p0 $0x3  }
0x65: {  	_ =	swait.ge @!p0 [sflag:s0], s1  }
0x66: {  	s1 =	ssub.s32 @!p0 $0x0, s1;
	[sflag:s0] =	ssyncset.done @!p0 $0x0  }
0x67: {  	[sflag:s0] =	ssyncadd.s32 @!p0 s1  }
0x68: {  	[bflag:$0x3] =	sbarrier.arrive $0xFFFF  }
0x69: {  	_ =	shalt  }

// kernel: kernel.9.cloned.1.call-start
scs
__scs_entry_jumppad:
0x0: {  	(pc) =	sbr.rel $0x88, $3  }
0x1: {  	(tag) =	ssettag $0x0;
	lr =	simm.s32 $0x1  }
0x2: {  	[smem:$0x3F84] =	sst lr;
	_ =	strace $0xD0000000  }
0x3: {  	_ = 	snop  }
0x4: {  	_ = 	snop  }
0x5: {  	_ = 	snop  }
0x6: {  	_ = 	snop  }
0x7: {  	_ = 	snop  }
__scs_overlays_trampoline_lowered:
0x8: {  	[smem:$0x3F93] =	sst s0  }
0x9: {  	[smem:$0x3F94] =	sst s1  }
0xa: {  	[smem:$0x3F95] =	sst s2  }
0xb: {  	[smem:$0x3F96] =	sst s3  }
0xc: {  	[smem:$0x3F97] =	sst s4  }
0xd: {  	[smem:$0x3F98] =	sst s5  }
0xe: {  	[smem:$0x3F99] =	sst s6  }
0xf: {  	[smem:$0x3F9A] =	sst s7  }
0x10: {  	[smem:$0x3F9B] =	sst s8  }
0x11: {  	[smem:$0x3F9C] =	sst s9;
	s0 =	simm.s32 @!p0 $0x0  }
0x12: {  	s1 =	sld [smem:$0x3F82];
	s0 =	simm.s32 @p0 $0x1  }
0x13: {  	[smem:$0x3F9D] =	sst s0;
	s0 =	simm.s32 @!p1 $0x0  }
0x14: {  	s2 =	sld [smem:$0x3F81];
	s0 =	simm.s32 @p1 $0x1  }
0x15: {  	[smem:$0x3F9E] =	sst s0;
	s0 =	simm.s32 @!p2 $0x0  }
0x16: {  	s3 =	sld [smem:$0x3FDB];
	s0 =	simm.s32 @p2 $0x1  }
0x17: {  	s4 =	simm.s32 $0x1BF5;
	[smem:$0x3FA0] =	sst s0  }
0x18: {  	s0 =	sld [smem:$0x3F83];
	_ =	swait.ge [sflag:s4], $0x0  }
0x19: {  	s7 =	sld [smem:$0x3F84]  }
0x1a: {  	s8 =	sadd.s32 $0xFFFFE003, lr  }
0x1b: {  	s9 =	sadd.s32 $0xFFFFFEF7, lr;
	s5 =	simm.s32 $0xFFFFFFFF;
	p2 =	slt.u32 s8, $0xFFFFF086  }
0x1c: {  	p1 =	slt.u32 s9, $0xF7A;
	s5 =	simm.s32 @!p2 $0x0  }
0x1d: {  	s5 =	simm.s32 @p1 $0x1;
	p0 =	seq.s32 s7, s2  }
0x1e: {  	s7 =	smul.u32 @!p0 $0xF7A, s2;
	p2 =	seq.s32 @!p0 s5, $0x0  }
0x1f: {  	s9 =	smul.u32 $0xF7A, s1;
	s8 =	simm.s32 @!p0 $0x1BF5;
	p2 =	por !p2, p0  }
0x20: {  	[sflag:s8] =	ssyncset.s32 @!p0 $0xFFFFF086;
	s6 =	sadd.s32 @!p0 s3, s7;
	s7 =	simm.s32 @!p0 $0x108  }
0x21: {  	s3 =	sadd.s32 s3, s9;
	s6 =	sadd.s32 @!p0 $0x88, s6;
	s7 =	simm.s32 @p2 $0x1082  }
0x22: {  	[simem:s7], [sflag:s8] =	dma.local @!p0 [hbm:s6], $0xF7A  }
0x23: {  	s9 =	sor.u32 $0xD0000000, s2;
	s6 =	simm.s32 $0x108;
	_ =	swait.ge @!p0 [sflag:s8], $0x0  }
0x24: {  	s3 =	sadd.s32 $0x88, s3;
	s6 =	simm.s32 @!p1 $0x1082;
	[sflag:s4] =	ssyncset.s32 $0xFFFFF086  }
0x25: {  	[simem:s6], [sflag:s4] =	dma.local [hbm:s3], $0xF7A  }
0x26: {  	[smem:$0x3F84] =	sst s1;
	(tag) =	ssettag s2;
	_ =	strace s9  }
0x27: {  	s1 =	sld [smem:$0x3F94]  }
0x28: {  	s2 =	sld [smem:$0x3F95]  }
0x29: {  	s4 =	sld [smem:$0x3F97]  }
0x2a: {  	p0 =	seq.s32 s5, $0x0;
	s5 =	sld [smem:$0x3F98]  }
0x2b: {  	s6 =	sld [smem:$0x3F99]  }
0x2c: {  	s7 =	sld [smem:$0x3F9A]  }
0x2d: {  	s3 =	simm.s32 $0x108;
	s8 =	sld [smem:$0x3F9B]  }
0x2e: {  	s3 =	simm.s32 @!p0 $0x1082;
	s9 =	sld [smem:$0x3F9C]  }
0x2f: {  	lr =	sadd.s32 s0, s3;
	s0 =	sld [smem:$0x3F93]  }
0x30: {  	s3 =	sld [smem:$0x3F96]  }
0x31: {  	[smem:$0x3F9F] =	sst s10  }
0x32: {  	s10 =	sld [smem:$0x3F9D];
	_ =	sdelay $0x3  }
0x33: {  	p0 =	seq.s32 s10, $0x1;
	s10 =	sld [smem:$0x3F9F];
	_ =	sdelay $0x3  }
0x34: {  	[smem:$0x3F9F] =	sst s10  }
0x35: {  	s10 =	sld [smem:$0x3F9E];
	_ =	sdelay $0x3  }
0x36: {  	p1 =	seq.s32 s10, $0x1;
	s10 =	sld [smem:$0x3F9F];
	_ =	sdelay $0x3  }
0x37: {  	[smem:$0x3F9F] =	sst s10  }
0x38: {  	s10 =	sld [smem:$0x3FA0]  }
0x39: {  	_ = 	snop;
	(pc) =	sbr.ind lr, $3  }
0x3a: {  	_ = 	snop  }
0x3b: {  	_ = 	snop  }
0x3c: {  	p2 =	seq.s32 s10, $0x1;
	s10 =	sld [smem:$0x3F9F]  }
0x3d: {  	_ =	shalt  }
0x3e: {  	_ =	shalt  }
0x3f: {  	_ =	shalt  }
0x40: {  	_ =	shalt  }
0x41: {  	_ =	shalt  }
0x42: {  	_ =	shalt  }
0x43: {  	_ =	shalt  }
0x44: {  	_ =	shalt  }
0x45: {  	_ =	shalt  }
0x46: {  	_ =	shalt  }
0x47: {  	_ =	shalt  }
0x48: {  	_ =	shalt  }
0x49: {  	_ =	shalt  }
0x4a: {  	_ =	shalt  }
0x4b: {  	_ =	shalt  }
0x4c: {  	_ =	shalt  }
0x4d: {  	_ =	shalt  }
0x4e: {  	_ =	shalt  }
0x4f: {  	_ =	shalt  }
0x50: {  	_ =	shalt  }
0x51: {  	_ =	shalt  }
0x52: {  	_ =	shalt  }
0x53: {  	_ =	shalt  }
0x54: {  	_ =	shalt  }
0x55: {  	_ =	shalt  }
0x56: {  	_ =	shalt  }
0x57: {  	_ =	shalt  }
0x58: {  	_ =	shalt  }
0x59: {  	_ =	shalt  }
0x5a: {  	_ =	shalt  }
0x5b: {  	_ =	shalt  }
0x5c: {  	_ =	shalt  }
0x5d: {  	_ =	shalt  }
0x5e: {  	_ =	shalt  }
0x5f: {  	_ =	shalt  }
0x60: {  	_ =	shalt  }
0x61: {  	_ =	shalt  }
0x62: {  	_ =	shalt  }
0x63: {  	_ =	shalt  }
0x64: {  	_ =	shalt  }
0x65: {  	_ =	shalt  }
0x66: {  	_ =	shalt  }
0x67: {  	_ =	shalt  }
0x68: {  	_ =	shalt  }
0x69: {  	_ =	shalt  }
0x6a: {  	_ =	shalt  }
0x6b: {  	_ =	shalt  }
0x6c: {  	_ =	shalt  }
0x6d: {  	_ =	shalt  }
0x6e: {  	_ =	shalt  }
0x6f: {  	_ =	shalt  }
0x70: {  	_ =	shalt  }
0x71: {  	_ =	shalt  }
0x72: {  	_ =	shalt  }
0x73: {  	_ =	shalt  }
0x74: {  	_ =	shalt  }
0x75: {  	_ =	shalt  }
0x76: {  	_ =	shalt  }
0x77: {  	_ =	shalt  }
0x78: {  	_ =	shalt  }
0x79: {  	_ =	shalt  }
0x7a: {  	_ =	shalt  }
0x7b: {  	_ =	shalt  }
0x7c: {  	_ =	shalt  }
0x7d: {  	_ =	shalt  }
0x7e: {  	_ =	shalt  }
0x7f: {  	_ =	shalt  }
0x80: {  	_ =	shalt  }
0x81: {  	_ =	shalt  }
0x82: {  	_ =	shalt  }
0x83: {  	_ =	shalt  }
0x84: {  	_ =	shalt  }
0x85: {  	_ =	shalt  }
0x86: {  	_ =	shalt  }
0x87: {  	_ =	shalt  }
.Lfunc_end0:
.L_simem_size_0:
called_computation_lowered:
.L_overlay_start_0:
0x88: {  	s2 =	sld [smem:$0x3FD9]  }
0x89: {  	s3 =	sld [smem:$0x3FFE];
	_ =	sdelay $0x1  }
0x8a: {  	s1 =	srdreg.scid  }
0x8b: {  	s0 =	sand.u32 $0x1, s1  }
0x8c: {  	s16 =	sshll.u32 s0, $0xA;
	s2 =	sadd.s32 s3, s2  }
0x8d: {  	s2 =	sadd.s32 s2, s16  }
0x8e: {  	[smem:$0x3FAB] =	sst s2  }
0x8f: {  	_ = 	snop  }
0x90: {  	(tm) =	ssettm $0x1  }
0x91: {  	s17 =	sld [smem:$0x3FFB];
	_ =	sdelay $0x3  }
0x92: {  	_ =	strace s17  }
0x93: {  	s2 =	sld [smem:$0x3FFC];
	_ =	sdelay $0x3  }
0x94: {  	_ =	strace s2  }
0x95: {  	s2 =	sld [smem:$0x3FFD];
	_ =	sdelay $0x3  }
0x96: {  	_ =	strace s2  }
0x97: {  	_ =	strace $0x8FFFFFFF  }
0x98: {  	s18 =	sld [smem:$0x3FDB];
	_ =	sdelay $0x1  }
0x99: {  	s19 =	simm.s32 $_scs_section_size  }
0x9a: {  	s4 =	simm.s32 $_size__tile_overlayer_lowered;
	s5 =	simm.s32 $_tile_overlayer_lowered  }
0x9b: {  	s22 =	simm.s32 $0x1BFF;
	s21 =	sshll.u32 s5, $0x1;
	s2 =	sadd.s32 s19, s18  }
0x9c: {  	s6 =	simm.s32 $0x0;
	s20 =	sshll.u32 s4, $0x1;
	s4 =	sadd.s32 s21, s2  }
0x9d: {  	[timem:s6], [sflag:s22] =	dma.local [hbm:s4], s20  }
0x9e: {  	_ =	swait.ge [sflag:s22], s20  }
0x9f: {  	s3 =	ssub.s32 $0x0, s20;
	[sflag:s22] =	ssyncset.done $0x0  }
0xa0: {  	[sflag:s22] =	ssyncadd.s32 s3;
	_ =	sdelay $0x1  }
0xa1: {  	s23 =	simm.s32 $0x1B8B  }
0xa2: {  	_ =	swait.ge [sflag:s23], $0x1  }
0xa3: {  	[sflag:s23] =	ssyncset.done $0x0  }
0xa4: {  	s25 =	simm.s32 $0x1B8E;
	s24 =	sld [smem:$0x3FFE];
	[sflag:s23] =	ssyncadd.s32 $0xFFFFFFFF  }
0xa5: {  	s26 =	simm.s32 $execute0_lowered;
	[smem:$0x3FD2] =	sst s25  }
0xa6: {  	s4 =	sshll.u32 s26, $0x1;
	_ =	strace $0x80000046;
	[dreg:$0x1] =	wrdreg $0xFFFFFFFF  }
0xa7: {  	s28 =	simm.s32 $_size_execute0_lowered;
	s2 =	sadd.s32 s2, s4;
	[dreg:$0x0] =	wrdreg $0x0  }
0xa8: {  	s4 =	sshll.u32 s28, $0x1;
	[dreg:$0x2] =	wrdreg s2  }
0xa9: {  	[dreg:$0x3] =	wrdreg s4  }
0xaa: {  	[dreg:$0x4] =	wrdreg $0xC0  }
0xab: {  	_ =	task [dreg:s6], $0x5FFFF  }
0xac: {  	[dreg:$0x1] =	wrdreg $0xFFFFFFFF  }
0xad: {  	[dreg:$0x0] =	wrdreg $0x60  }
0xae: {  	[dreg:$0x2] =	wrdreg s24  }
0xaf: {  	[dreg:$0x3] =	wrdreg $0x9  }
0xb0: {  	_ =	task.clear_ibuf [dreg:s6], $0x4FFFF;
	_ =	strace $0x90000046  }
0xb1: {  	s29 =	simm.s32 $0x9;
	_ =	strace $0x80000048  }
0xb2: {  	_ =	swait.ge [sflag:s29], $0x1  }
0xb3: {  	[sflag:s29] =	ssyncadd.s32 $0xFFFFFFFF  }
0xb4: {  	_ =	strace $0x90000048  }
0xb5: {  	_ =	sfence  }
0xb6: {  	s30 =	sld [smem:$0x0];
	_ =	sdelay $0x2  }
0xb7: {  	s31 =	sshll.u32 s1, $0xD;
	s1 =	sshrl.u32 s1, $0x2  }
0xb8: {  	s3 =	sand.u32 $0x4000, s31;
	s1 =	sadd.s32 s1, s30  }
0xb9: {  	s0 =	sor.u32 s3, s0;
	s1 =	sshll.u32 s1, $0x11  }
0xba: {  	s0 =	sor.u32 s1, s0  }
0xbb: {  	s0 =	sadd.s32 $0x8F2B, s0  }
0xbc: {  	[sflag:s0] =	ssyncadd.remote.s32 $0x1  }
0xbd: {  	_ =	sfence.sel $0xFFFF  }
0xbe: {  	[dreg:$0x0] =	wrdreg $0xFFFFFFFF;
	(pc) =	sbr.abs _section_cstart, $3  }
0xbf: {  	[dreg:$0x1] =	wrdreg $0xFFFFFFFF  }
0xc0: {  	_ =	task.clear_ibuf [dreg:s6], $0x2FFFF;
	_ =	strace $0x9FFFFFFF  }
0xc1: {  	(tm) =	ssettm $0x7FFFFFFF  }
tec
execute0_lowered:
.L_overlay_start_1:
0x0: {  	(tag) =	ssettag $0x1  }
0x1: {  	s5 =	rddreg [dreg:$0x0]  }
0x2: {  	s0 =	rddreg [dreg:$0x1]  }
0x3: {  	s3 =	srdreg.scid;
	s1 =	stileid.u32;
	s2 =	simm.s32 $0x0  }
0x4: {  	s11 =	simm.s32 $0x4;
	s12 =	simm.s32 $0x80;
	s13 =	simm.s32 $0x50  }
0x5: {  	s14 =	simm.s32 $0x100;
	s15 =	simm.s32 $0x2900;
	s16 =	simm.s32 $0x5100  }
0x6: {  	s17 =	simm.s32 $0x1;
	s18 =	simm.s32 $0x2;
	s7 =	smul.u32 $0x4E20, s1  }
0x7: {  	s19 =	simm.s32 $0x3;
	s6 =	sand.u32 $0x1, s3;
	s9 =	smul.u32 $0x4E200, s1  }
0x8: {  	s20 =	simm.s32 $0x0;
	[smem:$0x7FF] =	sst s2;
	s8 =	smul.u32 $0x2710, s6  }
0x9: {  	s3 =	sadd.s32 $0x1BE00, s5;
	s10 =	smul.u32 $0x27100, s6;
	s6 =	ssub.s32 $0x2, s6  }
0xa: {  	s4 =	sadd.s32 $0x43000, s5;
	_ =	strace $0x80000047;
	s30 =	sshrl.u32 s6, $0x1  }
0xb: {  	s29 =	sadd.s32 s9, s5;
	s7 =	sadd.s32 s8, s7;
	s6 =	ssub.s32 s6, s30  }
0xc: {  	s8 =	sadd.s32 s10, s29;
	s7 =	sshrl.u32 s7, $0x3;
	s6 =	smax.u32 s6, $0x1  }
0xd: {  	s31 =	sadd.s32 s7, s5;
	s5 =	sadd.s32 $0x6A200, s8;
	s7 =	sadd.s32 $0x54C200, s8  }
0xe: {  	s8 =	sadd.s32 $0xA2E200, s8;
	s9 =	sadd.s32 $0x8200, s31;
	s10 =	sadd.s32 $0x12000, s31  }
.LBB2_1:
0xf: {  	[tilespmem:s2], [sflag:$0x4] =	stream.linear.gather [hbm4b:s10+s2], $0x50, $0x38;
	[tilespmem:$0x7900] =	vst v63  }
0x10: {  	_ =	swait.ge [sflag:s11], $0x50  }
0x11: {  	[sflag:s11] =	ssyncset.done $0x0  }
0x12: {  	[sflag:s11] =	ssyncadd.s32 $0xFFFFFFB0  }
0x13: {  	[tilespmem:s12], [sflag:$0x4] =	stream.linear.gather [hbm4b:s9+s2], $0x50, $0x38;
	[tilespmem:$0x7900] =	vst v63  }
0x14: {  	_ =	swait.ge [sflag:s11], $0x50  }
0x15: {  	[sflag:s11] =	ssyncset.done $0x0  }
0x16: {  	[sflag:s11] =	ssyncadd.s32 $0xFFFFFFB0  }
0x17: {  	[tilespmem:s14], [sflag:$0x1] =	stream.indirect.gather [hbm4b:s3+s13], $0x80, s2, s13, $0xb8;
	[tilespmem:$0x7900] =	vst v63  }
0x18: {  	_ = 	snop  }
0x19: {  	[tilespmem:s15], [sflag:$0x2] =	stream.indirect.gather [hbm4b:s3+s13], $0x80, s12, s13, $0xb8;
	[tilespmem:$0x7900] =	vst v63  }
0x1a: {  	_ = 	snop  }
0x1b: {  	[tilespmem:s16], [sflag:$0x3] =	stream.indirect.gather [hbm4b:s4+s13], $0x80, s2, s13, $0xb8;
	[tilespmem:$0x7900] =	vst v63  }
0x1c: {  	_ =	swait.ge [sflag:s17], $0x2800  }
0x1d: {  	[sflag:s17] =	ssyncset.done $0x0  }
0x1e: {  	[sflag:s17] =	ssyncadd.s32 $0xFFFFD800  }
0x1f: {  	_ =	swait.ge [sflag:s18], $0x2800  }
0x20: {  	[sflag:s18] =	ssyncset.done $0x0  }
0x21: {  	[sflag:s18] =	ssyncadd.s32 $0xFFFFD800  }
0x22: {  	_ =	swait.ge [sflag:s19], $0x2800  }
0x23: {  	[sflag:s19] =	ssyncset.done $0x0  }
0x24: {  	s21 =	sadd.s32 $0x0, s5;
	[sflag:s19] =	ssyncadd.s32 $0xFFFFD800  }
0x25: {  	[hbm4b:s21+s2] =	stream.linear.scatter [tilespmem:s14], [sflag:$0x4], $0x2800, $0x38;
	[tilespmem:$0x7900] =	vst v63  }
0x26: {  	_ =	swait.ge [sflag:s11], $0x2800  }
0x27: {  	[sflag:s11] =	ssyncset.done $0x0  }
0x28: {  	s30 =	sadd.s32 $0x0, s7;
	[sflag:s11] =	ssyncadd.s32 $0xFFFFD800  }
0x29: {  	[hbm4b:s30+s2] =	stream.linear.scatter [tilespmem:s15], [sflag:$0x4], $0x2800, $0x38;
	[tilespmem:$0x7900] =	vst v63  }
0x2a: {  	_ =	swait.ge [sflag:s11], $0x2800  }
0x2b: {  	[sflag:s11] =	ssyncset.done $0x0  }
0x2c: {  	s31 =	sadd.s32 $0x0, s8;
	[sflag:s11] =	ssyncadd.s32 $0xFFFFD800  }
0x2d: {  	[hbm4b:s31+s2] =	stream.linear.scatter [tilespmem:s16], [sflag:$0x4], $0x2800, $0x38;
	[tilespmem:$0x7900] =	vst v63  }
0x2e: {  	s22 =	smov.u32 s9;
	_ =	swait.ge [sflag:s11], $0x2800  }
0x2f: {  	s23 =	smov.u32 s10;
	s21 =	simm.s32 $0x500;
	[sflag:s11] =	ssyncset.done $0x0  }
.LBB2_2:
0x30: {  	[sflag:s11] =	ssyncadd.s32 $0xFFFFD800  }
0x31: {  	s22 =	sadd.s32 $0xA, s22;
	s23 =	sadd.s32 $0xA, s23;
	s24 =	smov.u32 s21  }
0x32: {  	[tilespmem:s2], [sflag:$0x4] =	stream.linear.gather [hbm4b:s23+s2], $0x50, $0x38;
	[tilespmem:$0x7900] =	vst v63  }
0x33: {  	p0 =	sne.s32 s21, $0x26C00;
	s21 =	sadd.s32 $0x500, s21;
	_ =	swait.ge [sflag:s11], $0x50  }
0x34: {  	[sflag:s11] =	ssyncset.done $0x0  }
0x35: {  	[sflag:s11] =	ssyncadd.s32 $0xFFFFFFB0  }
0x36: {  	[tilespmem:s12], [sflag:$0x4] =	stream.linear.gather [hbm4b:s22+s2], $0x50, $0x38;
	[tilespmem:$0x7900] =	vst v63  }
0x37: {  	_ =	swait.ge [sflag:s11], $0x50  }
0x38: {  	[sflag:s11] =	ssyncset.done $0x0  }
0x39: {  	[sflag:s11] =	ssyncadd.s32 $0xFFFFFFB0  }
0x3a: {  	[tilespmem:s14], [sflag:$0x1] =	stream.indirect.gather [hbm4b:s3+s13], $0x80, s2, s13, $0xb8;
	[tilespmem:$0x7900] =	vst v63  }
0x3b: {  	_ = 	snop  }
0x3c: {  	[tilespmem:s15], [sflag:$0x2] =	stream.indirect.gather [hbm4b:s3+s13], $0x80, s12, s13, $0xb8;
	[tilespmem:$0x7900] =	vst v63  }
0x3d: {  	_ = 	snop  }
0x3e: {  	[tilespmem:s16], [sflag:$0x3] =	stream.indirect.gather [hbm4b:s4+s13], $0x80, s2, s13, $0xb8;
	[tilespmem:$0x7900] =	vst v63  }
0x3f: {  	_ =	swait.ge [sflag:s17], $0x2800  }
0x40: {  	[sflag:s17] =	ssyncset.done $0x0  }
0x41: {  	[sflag:s17] =	ssyncadd.s32 $0xFFFFD800  }
0x42: {  	_ =	swait.ge [sflag:s18], $0x2800  }
0x43: {  	[sflag:s18] =	ssyncset.done $0x0  }
0x44: {  	[sflag:s18] =	ssyncadd.s32 $0xFFFFD800  }
0x45: {  	_ =	swait.ge [sflag:s19], $0x2800  }
0x46: {  	[sflag:s19] =	ssyncset.done $0x0  }
0x47: {  	s25 =	sadd.s32 s24, s5;
	[sflag:s19] =	ssyncadd.s32 $0xFFFFD800  }
0x48: {  	[hbm4b:s25+s2] =	stream.linear.scatter [tilespmem:s14], [sflag:$0x4], $0x2800, $0x38;
	[tilespmem:$0x7900] =	vst v63  }
0x49: {  	_ =	swait.ge [sflag:s11], $0x2800  }
0x4a: {  	[sflag:s11] =	ssyncset.done $0x0  }
0x4b: {  	s25 =	sadd.s32 s24, s7;
	[sflag:s11] =	ssyncadd.s32 $0xFFFFD800  }
0x4c: {  	[hbm4b:s25+s2] =	stream.linear.scatter [tilespmem:s15], [sflag:$0x4], $0x2800, $0x38;
	[tilespmem:$0x7900] =	vst v63  }
0x4d: {  	_ =	swait.ge [sflag:s11], $0x2800  }
.Ltmp0:
0x4e: {  	[sflag:s11] =	ssyncset.done $0x0;
	(pc) =	sbr.rel @p0 .LBB2_2-.Ltmp0, $4  }
0x4f: {  	s24 =	sadd.s32 s24, s8;
	[sflag:s11] =	ssyncadd.s32 $0xFFFFD800  }
0x50: {  	[hbm4b:s24+s2] =	stream.linear.scatter [tilespmem:s16], [sflag:$0x4], $0x2800, $0x38;
	[tilespmem:$0x7900] =	vst v63  }
0x51: {  	_ =	swait.ge [sflag:s11], $0x2800  }
0x52: {  	[sflag:s11] =	ssyncset.done $0x0  }
0x53: {  	s20 =	sadd.s32 $0x1, s20  }
0x54: {  	p0 =	sne.s32 s20, s6  }
.Ltmp1:
0x55: {  	_ = 	snop;
	(pc) =	sbr.rel @p0 .LBB2_1-.Ltmp1, $2  }
0x56: {  	_ =	sdelay $0x2  }
0x57: {  	[sflag:s11] =	ssyncadd.s32 $0xFFFFD800  }
0x58: {  	_ =	sfence.sel $0x180000  }
0x59: {  	[bflag:$0x0] =	sbarrier.arrive $0xFFFF  }
0x5a: {  	p0 =	sne.s32 s1, $0x0;
	_ =	strace $0x90000047  }
0x5b: {  	s0 =	sadd.s32 @!p0 $0x100000, s0;
	[bflag:$0x2] =	sbarrier.arrive $0xFFFF  }
0x5c: {  	[sflag:s0] =	ssyncadd.tile.s32 @!p0 $0x1;
	_ =	shalt  }
.Lfunc_end2:
_tile_overlayer_lowered:
.L_overlay_start_2:
0x5d: {  	(tag) =	ssettag $0x2  }
0x5e: {  	s0 =	rddreg [dreg:$0x0];
	s2 =	stileid.u32  }
0x5f: {  	s1 =	rddreg [dreg:$0x1];
	p0 =	sne.s32 s2, $0x0  }
0x60: {  	s3 =	rddreg [dreg:$0x2];
	[bflag:$0x3] =	sbarrier.arrive $0xFFFF;
	s2 =	simm.s32 @!p0 $0x1C04  }
0x61: {  	[timem:s3], [sflag:s2] =	dma.local @!p0 [hbm:s0], s1  }
0x62: {  	s0 =	simm.s32 @!p0 $0x4  }
0x63: {  	_ =	swait.ge @!p0 [sflag:s0], s1  }
0x64: {  	s1 =	ssub.s32 @!p0 $0x0, s1;
	[sflag:s0] =	ssyncset.done @!p0 $0x0  }
0x65: {  	[sflag:s0] =	ssyncadd.s32 @!p0 s1  }
0x66: {  	[bflag:$0x3] =	sbarrier.arrive $0xFFFF  }
0x67: {  	_ =	shalt  }

</sc_bundles>
